<compile_context>
chip_gen: v7x
topology: tpu7x:2x2x1
jax: 0.10.2.dev20260603
libtpu: 0.0.44.dev20260713+nightly
codegen_flags: <defaults>
</compile_context>

<pallas_src>
import functools

import jax
import jax.numpy as jnp
from jax import lax
from jax.experimental import pallas as pl
from jax.experimental.pallas import tpu as pltpu
from jax.experimental.pallas import tpu_sc as plsc

_GROUP = 4
_NGROUPS = 20
_MDIMS = 80
_BATCH = 16384
_NC, _NS, _L = 2, 16, 16
_NW = _NC * _NS
_COLS_W = _BATCH // _NW
_VPC = _COLS_W // _L
_UNROLL = 4


def _sc_body(xt_hbm, outt_hbm, x_v, y_v):
    wid = lax.axis_index("s") * _NC + lax.axis_index("c")
    c0 = wid * _COLS_W
    pltpu.sync_copy(xt_hbm.at[:, pl.ds(c0, _COLS_W)], x_v)
    lo = jnp.full((_L,), -1.0, jnp.float32)
    hi = jnp.full((_L,), 1.0, jnp.float32)

    @plsc.parallel_loop(0, _VPC, 1, unroll=_UNROLL)
    def _col(v):
        col = v * _L
        for i in range(_NGROUPS):
            xv = x_v[i, pl.ds(col, _L)]
            xv = jnp.minimum(jnp.maximum(xv, lo), hi)
            for j in range(_GROUP):
                y_v[_GROUP * i + j, pl.ds(col, _L)] = xv

    pltpu.sync_copy(y_v, outt_hbm.at[:, pl.ds(c0, _COLS_W)])


@functools.partial(jax.jit, static_argnames=())
def _sc_expand(x_t):
    mesh = plsc.VectorSubcoreMesh(core_axis_name="c", subcore_axis_name="s",
                                  num_cores=_NC, num_subcores=_NS)
    return pl.kernel(
        _sc_body,
        out_type=jax.ShapeDtypeStruct((_MDIMS, _BATCH), jnp.float32),
        mesh=mesh,
        scratch_types=[
            pltpu.VMEM((_NGROUPS, _COLS_W), jnp.float32),
            pltpu.VMEM((_MDIMS, _COLS_W), jnp.float32),
        ],
        compiler_params=pltpu.CompilerParams(needs_layout_passes=False),
    )(x_t)


def kernel(x, latent_pi, W, b, noise):
    del latent_pi, W, b, noise
    return _sc_expand(x.T).T

# --- scband reference (transcript-rebuilt; emitter-appended) ---
"""Pipeline reference for scband-dyn-syn-layer-32804960207038 (READ-ONLY COPY).

The authoritative reference and input builder live on the scoring server;
editing this copy changes nothing except your own understanding.
"""

import jax, jax.numpy as jnp
import numpy as np

MUSCLE_GROUPS = [[4 * i + j for j in range(4)] for i in range(20)]
GROUP_DIMS = np.array([len(g) for g in MUSCLE_GROUPS], dtype=np.int32)
MUSCLE_DIMS = max(max(g) for g in MUSCLE_GROUPS) + 1
MUSCLE_GROUP_NUMS = len(MUSCLE_GROUPS)

_weight_muscle_indx = []
for g in MUSCLE_GROUPS:
    if len(g) > 1:
        _weight_muscle_indx.extend(g[1:])
WEIGHT_MUSCLE_INDX = np.array(_weight_muscle_indx, dtype=np.int64)

_muscle_indx = list(range(MUSCLE_DIMS))
_total = 0
for g in MUSCLE_GROUPS:
    for i in g:
        _muscle_indx[i] = _total
        _total += 1
MUSCLE_INDX = np.array(_muscle_indx, dtype=np.int64)

LOG_STD = -2.0
BATCH = 16384
LAST_LAYER_DIM = 256
WEIGHT_DIM = MUSCLE_DIMS - MUSCLE_GROUP_NUMS  # 60


def setup_inputs(seed: int = 0) -> dict:
    key = jax.random.key(seed)
    k1, k2, k3, k4, k5 = jax.random.split(key, 5)
    x = jax.random.normal(k1, (BATCH, MUSCLE_GROUP_NUMS), dtype=jnp.float32)
    latent_pi = jax.random.normal(k2, (BATCH, LAST_LAYER_DIM), dtype=jnp.float32)
    W = jax.random.normal(k3, (WEIGHT_DIM, LAST_LAYER_DIM), dtype=jnp.float32) * 0.05
    b = jax.random.normal(k4, (WEIGHT_DIM,), dtype=jnp.float32) * 0.01
    noise = jax.random.normal(k5, (BATCH, WEIGHT_DIM), dtype=jnp.float32)
    return {"x": x, "latent_pi": latent_pi, "W": W, "b": b, "noise": noise}


def reference(x, latent_pi, W, b, noise):
    # mu linear head
    mean_weights = latent_pi @ W.T + b
    # SquashedDiagGaussianDistribution.actions_from_params (deterministic=False):
    # sample = mean + exp(log_std) * noise, squashed through tanh
    gaussian = mean_weights + jnp.exp(jnp.float32(LOG_STD)) * noise
    weight = jnp.tanh(gaussian)
    # dynsyn_weight_amp is None at init -> weight replaced by ones_like(weight)
    weight = jnp.ones_like(weight)
    # repeat_replace_x: repeat_interleave by group dims, then permute by muscle_indx
    x_rep = jnp.repeat(x, GROUP_DIMS, axis=-1, total_repeat_length=MUSCLE_DIMS)
    x_rep = x_rep[..., MUSCLE_INDX]
    # scatter-multiply at weight_muscle_indx
    x_rep = x_rep.at[..., WEIGHT_MUSCLE_INDX].multiply(weight)
    out = jnp.clip(x_rep, -1.0, 1.0)
    return out

if __name__ == "__main__":
    import jax
    _d = setup_inputs()
    print(jax.jit(kernel)(*tuple(_d.values())))

</pallas_src>

<mosaic_0001>
#map = affine_map<(d0, d1) -> (0, 0)>
module attributes {stable_mosaic.version = 14 : i64} {
  func.func @_sc_body(%arg0: i32, %arg1: i32, %arg2: memref<20x16384xf32, #tpu.memory_space<hbm>>, %arg3: memref<80x16384xf32, #tpu.memory_space<hbm>>, %arg4: memref<20x512xf32, #tpu.memory_space<vmem>>, %arg5: memref<80x512xf32, #tpu.memory_space<vmem>>) attributes {dimension_semantics = [#tpu.dimension_semantics<core_parallel>, #tpu.dimension_semantics<subcore_parallel>], iteration_bounds = array<i64: 2, 16>, scalar_prefetch = 0 : i64, scratch_operands = 2 : i64, tpu.core_type = #tpu.core_type<sc_vector_subcore>, window_params = [{transform_indices = #map}, {transform_indices = #map}]} {
    %mul3A = arith.constant 2 : i32
    %mul3A_0 = arith.muli %arg1, %mul3A : i32
    %add3A = arith.addi %mul3A_0, %arg0 : i32
    %mul3A_1 = arith.constant 512 : i32
    %mul3A_2 = arith.muli %add3A, %mul3A_1 : i32
    "tpu.region"() ({
      %run_scoped3A = tpu.sem_alloc : memref<!tpu.dma_semaphore, #tpu.memory_space<semaphore_mem>>
      %dma_start3A = arith.constant 0 : i32
      %dma_start3A_8 = tpu.memref_slice %arg2[%dma_start3A, %mul3A_2] : memref<20x16384xf32, #tpu.memory_space<hbm>> -> memref<20x512xf32, #tpu.memory_space<hbm>>
      %dma_start3A_9 = arith.constant 0 : i32
      %dma_start3A_10 = tpu.memref_slice %arg2[%dma_start3A_9, %mul3A_2] : memref<20x16384xf32, #tpu.memory_space<hbm>> -> memref<20x512xf32, #tpu.memory_space<hbm>>
      tpu.enqueue_dma source(%dma_start3A_10 : memref<20x512xf32, #tpu.memory_space<hbm>>) target(%arg4 : memref<20x512xf32, #tpu.memory_space<vmem>>) target_semaphore(%run_scoped3A : memref<!tpu.dma_semaphore, #tpu.memory_space<semaphore_mem>>)
      %dma_wait3A = arith.constant 0 : i32
      %dma_wait3A_11 = tpu.memref_slice %arg2[%dma_wait3A, %mul3A_2] : memref<20x16384xf32, #tpu.memory_space<hbm>> -> memref<20x512xf32, #tpu.memory_space<hbm>>
      %dma_wait3A_12 = arith.constant 0 : i32
      %dma_wait3A_13 = tpu.memref_slice %arg2[%dma_wait3A_12, %mul3A_2] : memref<20x16384xf32, #tpu.memory_space<hbm>> -> memref<20x512xf32, #tpu.memory_space<hbm>>
      tpu.wait_dma2 semaphore(%run_scoped3A : memref<!tpu.dma_semaphore, #tpu.memory_space<semaphore_mem>>) src(%dma_wait3A_13 : memref<20x512xf32, #tpu.memory_space<hbm>>) dst(%arg4 : memref<20x512xf32, #tpu.memory_space<vmem>>)
      tpu.yield
    }) : () -> ()
    %broadcast_in_dim3A = arith.constant -1.000000e+00 : f32
    %broadcast_in_dim3A_3 = vector.broadcast %broadcast_in_dim3A : f32 to vector<16xf32>
    %broadcast_in_dim3A_4 = arith.constant 1.000000e+00 : f32
    %broadcast_in_dim3A_5 = vector.broadcast %broadcast_in_dim3A_4 : f32 to vector<16xf32>
    %parallel_loop3A = arith.constant 0 : i32
    %parallel_loop3A_6 = arith.constant 32 : i32
    %parallel_loop3A_7 = arith.constant 1 : i32
    scf.for %parallel_loop3A_8 = %parallel_loop3A to %parallel_loop3A_6 step %parallel_loop3A_7  : i32 {
      %parallel_loop3A_9 = arith.constant 16 : i32
      %parallel_loop3A_10 = arith.muli %parallel_loop3A_8, %parallel_loop3A_9 : i32
      %parallel_loop3A_11 = arith.constant 0 : i32
      %parallel_loop3A_12 = arith.index_cast %parallel_loop3A_11 : i32 to index
      %parallel_loop3A_13 = arith.index_cast %parallel_loop3A_10 : i32 to index
      %parallel_loop3A_14 = tpu.vector_load %arg4[%parallel_loop3A_12, %parallel_loop3A_13] {strides = array<i32>} : memref<20x512xf32, #tpu.memory_space<vmem>>, vector<16xf32>,
      %parallel_loop3A_15 = arith.maximumf %parallel_loop3A_14, %broadcast_in_dim3A_3 : vector<16xf32>
      %parallel_loop3A_16 = arith.minimumf %parallel_loop3A_15, %broadcast_in_dim3A_5 : vector<16xf32>
      %parallel_loop3A_17 = arith.constant 0 : i32
      %parallel_loop3A_18 = arith.index_cast %parallel_loop3A_17 : i32 to index
      %parallel_loop3A_19 = arith.index_cast %parallel_loop3A_10 : i32 to index
      %parallel_loop3A_20 = tpu.vector_load %arg5[%parallel_loop3A_18, %parallel_loop3A_19] {strides = array<i32>} : memref<80x512xf32, #tpu.memory_space<vmem>>, vector<16xf32>,
      tpu.vector_store %arg5[%parallel_loop3A_18, %parallel_loop3A_19], %parallel_loop3A_16 {strides = array<i32>} : memref<80x512xf32, #tpu.memory_space<vmem>>, vector<16xf32>,
      %parallel_loop3A_21 = arith.constant 1 : i32
      %parallel_loop3A_22 = arith.index_cast %parallel_loop3A_21 : i32 to index
      %parallel_loop3A_23 = arith.index_cast %parallel_loop3A_10 : i32 to index
      %parallel_loop3A_24 = tpu.vector_load %arg5[%parallel_loop3A_22, %parallel_loop3A_23] {strides = array<i32>} : memref<80x512xf32, #tpu.memory_space<vmem>>, vector<16xf32>,
      tpu.vector_store %arg5[%parallel_loop3A_22, %parallel_loop3A_23], %parallel_loop3A_16 {strides = array<i32>} : memref<80x512xf32, #tpu.memory_space<vmem>>, vector<16xf32>,
      %parallel_loop3A_25 = arith.constant 2 : i32
      %parallel_loop3A_26 = arith.index_cast %parallel_loop3A_25 : i32 to index
      %parallel_loop3A_27 = arith.index_cast %parallel_loop3A_10 : i32 to index
      %parallel_loop3A_28 = tpu.vector_load %arg5[%parallel_loop3A_26, %parallel_loop3A_27] {strides = array<i32>} : memref<80x512xf32, #tpu.memory_space<vmem>>, vector<16xf32>,
      tpu.vector_store %arg5[%parallel_loop3A_26, %parallel_loop3A_27], %parallel_loop3A_16 {strides = array<i32>} : memref<80x512xf32, #tpu.memory_space<vmem>>, vector<16xf32>,
      %parallel_loop3A_29 = arith.constant 3 : i32
      %parallel_loop3A_30 = arith.index_cast %parallel_loop3A_29 : i32 to index
      %parallel_loop3A_31 = arith.index_cast %parallel_loop3A_10 : i32 to index
      %parallel_loop3A_32 = tpu.vector_load %arg5[%parallel_loop3A_30, %parallel_loop3A_31] {strides = array<i32>} : memref<80x512xf32, #tpu.memory_space<vmem>>, vector<16xf32>,
      tpu.vector_store %arg5[%parallel_loop3A_30, %parallel_loop3A_31], %parallel_loop3A_16 {strides = array<i32>} : memref<80x512xf32, #tpu.memory_space<vmem>>, vector<16xf32>,
      %parallel_loop3A_33 = arith.constant 1 : i32
      %parallel_loop3A_34 = arith.index_cast %parallel_loop3A_33 : i32 to index
      %parallel_loop3A_35 = arith.index_cast %parallel_loop3A_10 : i32 to index
      %parallel_loop3A_36 = tpu.vector_load %arg4[%parallel_loop3A_34, %parallel_loop3A_35] {strides = array<i32>} : memref<20x512xf32, #tpu.memory_space<vmem>>, vector<16xf32>,
      %parallel_loop3A_37 = arith.maximumf %parallel_loop3A_36, %broadcast_in_dim3A_3 : vector<16xf32>
      %parallel_loop3A_38 = arith.minimumf %parallel_loop3A_37, %broadcast_in_dim3A_5 : vector<16xf32>
      %parallel_loop3A_39 = arith.constant 4 : i32
      %parallel_loop3A_40 = arith.index_cast %parallel_loop3A_39 : i32 to index
      %parallel_loop3A_41 = arith.index_cast %parallel_loop3A_10 : i32 to index
      %parallel_loop3A_42 = tpu.vector_load %arg5[%parallel_loop3A_40, %parallel_loop3A_41] {strides = array<i32>} : memref<80x512xf32, #tpu.memory_space<vmem>>, vector<16xf32>,
      tpu.vector_store %arg5[%parallel_loop3A_40, %parallel_loop3A_41], %parallel_loop3A_38 {strides = array<i32>} : memref<80x512xf32, #tpu.memory_space<vmem>>, vector<16xf32>,
      %parallel_loop3A_43 = arith.constant 5 : i32
      %parallel_loop3A_44 = arith.index_cast %parallel_loop3A_43 : i32 to index
      %parallel_loop3A_45 = arith.index_cast %parallel_loop3A_10 : i32 to index
      %parallel_loop3A_46 = tpu.vector_load %arg5[%parallel_loop3A_44, %parallel_loop3A_45] {strides = array<i32>} : memref<80x512xf32, #tpu.memory_space<vmem>>, vector<16xf32>,
      tpu.vector_store %arg5[%parallel_loop3A_44, %parallel_loop3A_45], %parallel_loop3A_38 {strides = array<i32>} : memref<80x512xf32, #tpu.memory_space<vmem>>, vector<16xf32>,
      %parallel_loop3A_47 = arith.constant 6 : i32
      %parallel_loop3A_48 = arith.index_cast %parallel_loop3A_47 : i32 to index
      %parallel_loop3A_49 = arith.index_cast %parallel_loop3A_10 : i32 to index
      %parallel_loop3A_50 = tpu.vector_load %arg5[%parallel_loop3A_48, %parallel_loop3A_49] {strides = array<i32>} : memref<80x512xf32, #tpu.memory_space<vmem>>, vector<16xf32>,
      tpu.vector_store %arg5[%parallel_loop3A_48, %parallel_loop3A_49], %parallel_loop3A_38 {strides = array<i32>} : memref<80x512xf32, #tpu.memory_space<vmem>>, vector<16xf32>,
      %parallel_loop3A_51 = arith.constant 7 : i32
      %parallel_loop3A_52 = arith.index_cast %parallel_loop3A_51 : i32 to index
      %parallel_loop3A_53 = arith.index_cast %parallel_loop3A_10 : i32 to index
      %parallel_loop3A_54 = tpu.vector_load %arg5[%parallel_loop3A_52, %parallel_loop3A_53] {strides = array<i32>} : memref<80x512xf32, #tpu.memory_space<vmem>>, vector<16xf32>,
      tpu.vector_store %arg5[%parallel_loop3A_52, %parallel_loop3A_53], %parallel_loop3A_38 {strides = array<i32>} : memref<80x512xf32, #tpu.memory_space<vmem>>, vector<16xf32>,
      %parallel_loop3A_55 = arith.constant 2 : i32
      %parallel_loop3A_56 = arith.index_cast %parallel_loop3A_55 : i32 to index
      %parallel_loop3A_57 = arith.index_cast %parallel_loop3A_10 : i32 to index
      %parallel_loop3A_58 = tpu.vector_load %arg4[%parallel_loop3A_56, %parallel_loop3A_57] {strides = array<i32>} : memref<20x512xf32, #tpu.memory_space<vmem>>, vector<16xf32>,
      %parallel_loop3A_59 = arith.maximumf %parallel_loop3A_58, %broadcast_in_dim3A_3 : vector<16xf32>
      %parallel_loop3A_60 = arith.minimumf %parallel_loop3A_59, %broadcast_in_dim3A_5 : vector<16xf32>
      %parallel_loop3A_61 = arith.constant 8 : i32
      %parallel_loop3A_62 = arith.index_cast %parallel_loop3A_61 : i32 to index
      %parallel_loop3A_63 = arith.index_cast %parallel_loop3A_10 : i32 to index
      %parallel_loop3A_64 = tpu.vector_load %arg5[%parallel_loop3A_62, %parallel_loop3A_63] {strides = array<i32>} : memref<80x512xf32, #tpu.memory_space<vmem>>, vector<16xf32>,
      tpu.vector_store %arg5[%parallel_loop3A_62, %parallel_loop3A_63], %parallel_loop3A_60 {strides = array<i32>} : memref<80x512xf32, #tpu.memory_space<vmem>>, vector<16xf32>,
      %parallel_loop3A_65 = arith.constant 9 : i32
      %parallel_loop3A_66 = arith.index_cast %parallel_loop3A_65 : i32 to index
      %parallel_loop3A_67 = arith.index_cast %parallel_loop3A_10 : i32 to index
      %parallel_loop3A_68 = tpu.vector_load %arg5[%parallel_loop3A_66, %parallel_loop3A_67] {strides = array<i32>} : memref<80x512xf32, #tpu.memory_space<vmem>>, vector<16xf32>,
      tpu.vector_store %arg5[%parallel_loop3A_66, %parallel_loop3A_67], %parallel_loop3A_60 {strides = array<i32>} : memref<80x512xf32, #tpu.memory_space<vmem>>, vector<16xf32>,
      %parallel_loop3A_69 = arith.constant 10 : i32
      %parallel_loop3A_70 = arith.index_cast %parallel_loop3A_69 : i32 to index
      %parallel_loop3A_71 = arith.index_cast %parallel_loop3A_10 : i32 to index
      %parallel_loop3A_72 = tpu.vector_load %arg5[%parallel_loop3A_70, %parallel_loop3A_71] {strides = array<i32>} : memref<80x512xf32, #tpu.memory_space<vmem>>, vector<16xf32>,
      tpu.vector_store %arg5[%parallel_loop3A_70, %parallel_loop3A_71], %parallel_loop3A_60 {strides = array<i32>} : memref<80x512xf32, #tpu.memory_space<vmem>>, vector<16xf32>,
      %parallel_loop3A_73 = arith.constant 11 : i32
      %parallel_loop3A_74 = arith.index_cast %parallel_loop3A_73 : i32 to index
      %parallel_loop3A_75 = arith.index_cast %parallel_loop3A_10 : i32 to index
      %parallel_loop3A_76 = tpu.vector_load %arg5[%parallel_loop3A_74, %parallel_loop3A_75] {strides = array<i32>} : memref<80x512xf32, #tpu.memory_space<vmem>>, vector<16xf32>,
      tpu.vector_store %arg5[%parallel_loop3A_74, %parallel_loop3A_75], %parallel_loop3A_60 {strides = array<i32>} : memref<80x512xf32, #tpu.memory_space<vmem>>, vector<16xf32>,
      %parallel_loop3A_77 = arith.constant 3 : i32
      %parallel_loop3A_78 = arith.index_cast %parallel_loop3A_77 : i32 to index
      %parallel_loop3A_79 = arith.index_cast %parallel_loop3A_10 : i32 to index
      %parallel_loop3A_80 = tpu.vector_load %arg4[%parallel_loop3A_78, %parallel_loop3A_79] {strides = array<i32>} : memref<20x512xf32, #tpu.memory_space<vmem>>, vector<16xf32>,
      %parallel_loop3A_81 = arith.maximumf %parallel_loop3A_80, %broadcast_in_dim3A_3 : vector<16xf32>
      %parallel_loop3A_82 = arith.minimumf %parallel_loop3A_81, %broadcast_in_dim3A_5 : vector<16xf32>
      %parallel_loop3A_83 = arith.constant 12 : i32
      %parallel_loop3A_84 = arith.index_cast %parallel_loop3A_83 : i32 to index
      %parallel_loop3A_85 = arith.index_cast %parallel_loop3A_10 : i32 to index
      %parallel_loop3A_86 = tpu.vector_load %arg5[%parallel_loop3A_84, %parallel_loop3A_85] {strides = array<i32>} : memref<80x512xf32, #tpu.memory_space<vmem>>, vector<16xf32>,
      tpu.vector_store %arg5[%parallel_loop3A_84, %parallel_loop3A_85], %parallel_loop3A_82 {strides = array<i32>} : memref<80x512xf32, #tpu.memory_space<vmem>>, vector<16xf32>,
      %parallel_loop3A_87 = arith.constant 13 : i32
      %parallel_loop3A_88 = arith.index_cast %parallel_loop3A_87 : i32 to index
      %parallel_loop3A_89 = arith.index_cast %parallel_loop3A_10 : i32 to index
      %parallel_loop3A_90 = tpu.vector_load %arg5[%parallel_loop3A_88, %parallel_loop3A_89] {strides = array<i32>} : memref<80x512xf32, #tpu.memory_space<vmem>>, vector<16xf32>,
      tpu.vector_store %arg5[%parallel_loop3A_88, %parallel_loop3A_89], %parallel_loop3A_82 {strides = array<i32>} : memref<80x512xf32, #tpu.memory_space<vmem>>, vector<16xf32>,
      %parallel_loop3A_91 = arith.constant 14 : i32
      %parallel_loop3A_92 = arith.index_cast %parallel_loop3A_91 : i32 to index
      %parallel_loop3A_93 = arith.index_cast %parallel_loop3A_10 : i32 to index
      %parallel_loop3A_94 = tpu.vector_load %arg5[%parallel_loop3A_92, %parallel_loop3A_93] {strides = array<i32>} : memref<80x512xf32, #tpu.memory_space<vmem>>, vector<16xf32>,
      tpu.vector_store %arg5[%parallel_loop3A_92, %parallel_loop3A_93], %parallel_loop3A_82 {strides = array<i32>} : memref<80x512xf32, #tpu.memory_space<vmem>>, vector<16xf32>,
      %parallel_loop3A_95 = arith.constant 15 : i32
      %parallel_loop3A_96 = arith.index_cast %parallel_loop3A_95 : i32 to index
      %parallel_loop3A_97 = arith.index_cast %parallel_loop3A_10 : i32 to index
      %parallel_loop3A_98 = tpu.vector_load %arg5[%parallel_loop3A_96, %parallel_loop3A_97] {strides = array<i32>} : memref<80x512xf32, #tpu.memory_space<vmem>>, vector<16xf32>,
      tpu.vector_store %arg5[%parallel_loop3A_96, %parallel_loop3A_97], %parallel_loop3A_82 {strides = array<i32>} : memref<80x512xf32, #tpu.memory_space<vmem>>, vector<16xf32>,
      %parallel_loop3A_99 = arith.constant 4 : i32
      %parallel_loop3A_100 = arith.index_cast %parallel_loop3A_99 : i32 to index
      %parallel_loop3A_101 = arith.index_cast %parallel_loop3A_10 : i32 to index
      %parallel_loop3A_102 = tpu.vector_load %arg4[%parallel_loop3A_100, %parallel_loop3A_101] {strides = array<i32>} : memref<20x512xf32, #tpu.memory_space<vmem>>, vector<16xf32>,
      %parallel_loop3A_103 = arith.maximumf %parallel_loop3A_102, %broadcast_in_dim3A_3 : vector<16xf32>
      %parallel_loop3A_104 = arith.minimumf %parallel_loop3A_103, %broadcast_in_dim3A_5 : vector<16xf32>
      %parallel_loop3A_105 = arith.constant 16 : i32
      %parallel_loop3A_106 = arith.index_cast %parallel_loop3A_105 : i32 to index
      %parallel_loop3A_107 = arith.index_cast %parallel_loop3A_10 : i32 to index
      %parallel_loop3A_108 = tpu.vector_load %arg5[%parallel_loop3A_106, %parallel_loop3A_107] {strides = array<i32>} : memref<80x512xf32, #tpu.memory_space<vmem>>, vector<16xf32>,
      tpu.vector_store %arg5[%parallel_loop3A_106, %parallel_loop3A_107], %parallel_loop3A_104 {strides = array<i32>} : memref<80x512xf32, #tpu.memory_space<vmem>>, vector<16xf32>,
      %parallel_loop3A_109 = arith.constant 17 : i32
      %parallel_loop3A_110 = arith.index_cast %parallel_loop3A_109 : i32 to index
      %parallel_loop3A_111 = arith.index_cast %parallel_loop3A_10 : i32 to index
      %parallel_loop3A_112 = tpu.vector_load %arg5[%parallel_loop3A_110, %parallel_loop3A_111] {strides = array<i32>} : memref<80x512xf32, #tpu.memory_space<vmem>>, vector<16xf32>,
      tpu.vector_store %arg5[%parallel_loop3A_110, %parallel_loop3A_111], %parallel_loop3A_104 {strides = array<i32>} : memref<80x512xf32, #tpu.memory_space<vmem>>, vector<16xf32>,
      %parallel_loop3A_113 = arith.constant 18 : i32
      %parallel_loop3A_114 = arith.index_cast %parallel_loop3A_113 : i32 to index
      %parallel_loop3A_115 = arith.index_cast %parallel_loop3A_10 : i32 to index
      %parallel_loop3A_116 = tpu.vector_load %arg5[%parallel_loop3A_114, %parallel_loop3A_115] {strides = array<i32>} : memref<80x512xf32, #tpu.memory_space<vmem>>, vector<16xf32>,
      tpu.vector_store %arg5[%parallel_loop3A_114, %parallel_loop3A_115], %parallel_loop3A_104 {strides = array<i32>} : memref<80x512xf32, #tpu.memory_space<vmem>>, vector<16xf32>,
      %parallel_loop3A_117 = arith.constant 19 : i32
      %parallel_loop3A_118 = arith.index_cast %parallel_loop3A_117 : i32 to index
      %parallel_loop3A_119 = arith.index_cast %parallel_loop3A_10 : i32 to index
      %parallel_loop3A_120 = tpu.vector_load %arg5[%parallel_loop3A_118, %parallel_loop3A_119] {strides = array<i32>} : memref<80x512xf32, #tpu.memory_space<vmem>>, vector<16xf32>,
      tpu.vector_store %arg5[%parallel_loop3A_118, %parallel_loop3A_119], %parallel_loop3A_104 {strides = array<i32>} : memref<80x512xf32, #tpu.memory_space<vmem>>, vector<16xf32>,
      %parallel_loop3A_121 = arith.constant 5 : i32
      %parallel_loop3A_122 = arith.index_cast %parallel_loop3A_121 : i32 to index
      %parallel_loop3A_123 = arith.index_cast %parallel_loop3A_10 : i32 to index
      %parallel_loop3A_124 = tpu.vector_load %arg4[%parallel_loop3A_122, %parallel_loop3A_123] {strides = array<i32>} : memref<20x512xf32, #tpu.memory_space<vmem>>, vector<16xf32>,
      %parallel_loop3A_125 = arith.maximumf %parallel_loop3A_124, %broadcast_in_dim3A_3 : vector<16xf32>
      %parallel_loop3A_126 = arith.minimumf %parallel_loop3A_125, %broadcast_in_dim3A_5 : vector<16xf32>
      %parallel_loop3A_127 = arith.constant 20 : i32
      %parallel_loop3A_128 = arith.index_cast %parallel_loop3A_127 : i32 to index
      %parallel_loop3A_129 = arith.index_cast %parallel_loop3A_10 : i32 to index
      %parallel_loop3A_130 = tpu.vector_load %arg5[%parallel_loop3A_128, %parallel_loop3A_129] {strides = array<i32>} : memref<80x512xf32, #tpu.memory_space<vmem>>, vector<16xf32>,
      tpu.vector_store %arg5[%parallel_loop3A_128, %parallel_loop3A_129], %parallel_loop3A_126 {strides = array<i32>} : memref<80x512xf32, #tpu.memory_space<vmem>>, vector<16xf32>,
      %parallel_loop3A_131 = arith.constant 21 : i32
      %parallel_loop3A_132 = arith.index_cast %parallel_loop3A_131 : i32 to index
      %parallel_loop3A_133 = arith.index_cast %parallel_loop3A_10 : i32 to index
      %parallel_loop3A_134 = tpu.vector_load %arg5[%parallel_loop3A_132, %parallel_loop3A_133] {strides = array<i32>} : memref<80x512xf32, #tpu.memory_space<vmem>>, vector<16xf32>,
      tpu.vector_store %arg5[%parallel_loop3A_132, %parallel_loop3A_133], %parallel_loop3A_126 {strides = array<i32>} : memref<80x512xf32, #tpu.memory_space<vmem>>, vector<16xf32>,
      %parallel_loop3A_135 = arith.constant 22 : i32
      %parallel_loop3A_136 = arith.index_cast %parallel_loop3A_135 : i32 to index
      %parallel_loop3A_137 = arith.index_cast %parallel_loop3A_10 : i32 to index
      %parallel_loop3A_138 = tpu.vector_load %arg5[%parallel_loop3A_136, %parallel_loop3A_137] {strides = array<i32>} : memref<80x512xf32, #tpu.memory_space<vmem>>, vector<16xf32>,
      tpu.vector_store %arg5[%parallel_loop3A_136, %parallel_loop3A_137], %parallel_loop3A_126 {strides = array<i32>} : memref<80x512xf32, #tpu.memory_space<vmem>>, vector<16xf32>,
      %parallel_loop3A_139 = arith.constant 23 : i32
      %parallel_loop3A_140 = arith.index_cast %parallel_loop3A_139 : i32 to index
      %parallel_loop3A_141 = arith.index_cast %parallel_loop3A_10 : i32 to index
      %parallel_loop3A_142 = tpu.vector_load %arg5[%parallel_loop3A_140, %parallel_loop3A_141] {strides = array<i32>} : memref<80x512xf32, #tpu.memory_space<vmem>>, vector<16xf32>,
      tpu.vector_store %arg5[%parallel_loop3A_140, %parallel_loop3A_141], %parallel_loop3A_126 {strides = array<i32>} : memref<80x512xf32, #tpu.memory_space<vmem>>, vector<16xf32>,
      %parallel_loop3A_143 = arith.constant 6 : i32
      %parallel_loop3A_144 = arith.index_cast %parallel_loop3A_143 : i32 to index
      %parallel_loop3A_145 = arith.index_cast %parallel_loop3A_10 : i32 to index
      %parallel_loop3A_146 = tpu.vector_load %arg4[%parallel_loop3A_144, %parallel_loop3A_145] {strides = array<i32>} : memref<20x512xf32, #tpu.memory_space<vmem>>, vector<16xf32>,
      %parallel_loop3A_147 = arith.maximumf %parallel_loop3A_146, %broadcast_in_dim3A_3 : vector<16xf32>
      %parallel_loop3A_148 = arith.minimumf %parallel_loop3A_147, %broadcast_in_dim3A_5 : vector<16xf32>
      %parallel_loop3A_149 = arith.constant 24 : i32
      %parallel_loop3A_150 = arith.index_cast %parallel_loop3A_149 : i32 to index
      %parallel_loop3A_151 = arith.index_cast %parallel_loop3A_10 : i32 to index
      %parallel_loop3A_152 = tpu.vector_load %arg5[%parallel_loop3A_150, %parallel_loop3A_151] {strides = array<i32>} : memref<80x512xf32, #tpu.memory_space<vmem>>, vector<16xf32>,
      tpu.vector_store %arg5[%parallel_loop3A_150, %parallel_loop3A_151], %parallel_loop3A_148 {strides = array<i32>} : memref<80x512xf32, #tpu.memory_space<vmem>>, vector<16xf32>,
      %parallel_loop3A_153 = arith.constant 25 : i32
      %parallel_loop3A_154 = arith.index_cast %parallel_loop3A_153 : i32 to index
      %parallel_loop3A_155 = arith.index_cast %parallel_loop3A_10 : i32 to index
      %parallel_loop3A_156 = tpu.vector_load %arg5[%parallel_loop3A_154, %parallel_loop3A_155] {strides = array<i32>} : memref<80x512xf32, #tpu.memory_space<vmem>>, vector<16xf32>,
      tpu.vector_store %arg5[%parallel_loop3A_154, %parallel_loop3A_155], %parallel_loop3A_148 {strides = array<i32>} : memref<80x512xf32, #tpu.memory_space<vmem>>, vector<16xf32>,
      %parallel_loop3A_157 = arith.constant 26 : i32
      %parallel_loop3A_158 = arith.index_cast %parallel_loop3A_157 : i32 to index
      %parallel_loop3A_159 = arith.index_cast %parallel_loop3A_10 : i32 to index
      %parallel_loop3A_160 = tpu.vector_load %arg5[%parallel_loop3A_158, %parallel_loop3A_159] {strides = array<i32>} : memref<80x512xf32, #tpu.memory_space<vmem>>, vector<16xf32>,
      tpu.vector_store %arg5[%parallel_loop3A_158, %parallel_loop3A_159], %parallel_loop3A_148 {strides = array<i32>} : memref<80x512xf32, #tpu.memory_space<vmem>>, vector<16xf32>,
      %parallel_loop3A_161 = arith.constant 27 : i32
      %parallel_loop3A_162 = arith.index_cast %parallel_loop3A_161 : i32 to index
      %parallel_loop3A_163 = arith.index_cast %parallel_loop3A_10 : i32 to index
      %parallel_loop3A_164 = tpu.vector_load %arg5[%parallel_loop3A_162, %parallel_loop3A_163] {strides = array<i32>} : memref<80x512xf32, #tpu.memory_space<vmem>>, vector<16xf32>,
      tpu.vector_store %arg5[%parallel_loop3A_162, %parallel_loop3A_163], %parallel_loop3A_148 {strides = array<i32>} : memref<80x512xf32, #tpu.memory_space<vmem>>, vector<16xf32>,
      %parallel_loop3A_165 = arith.constant 7 : i32
      %parallel_loop3A_166 = arith.index_cast %parallel_loop3A_165 : i32 to index
      %parallel_loop3A_167 = arith.index_cast %parallel_loop3A_10 : i32 to index
      %parallel_loop3A_168 = tpu.vector_load %arg4[%parallel_loop3A_166, %parallel_loop3A_167] {strides = array<i32>} : memref<20x512xf32, #tpu.memory_space<vmem>>, vector<16xf32>,
      %parallel_loop3A_169 = arith.maximumf %parallel_loop3A_168, %broadcast_in_dim3A_3 : vector<16xf32>
      %parallel_loop3A_170 = arith.minimumf %parallel_loop3A_169, %broadcast_in_dim3A_5 : vector<16xf32>
      %parallel_loop3A_171 = arith.constant 28 : i32
      %parallel_loop3A_172 = arith.index_cast %parallel_loop3A_171 : i32 to index
      %parallel_loop3A_173 = arith.index_cast %parallel_loop3A_10 : i32 to index
      %parallel_loop3A_174 = tpu.vector_load %arg5[%parallel_loop3A_172, %parallel_loop3A_173] {strides = array<i32>} : memref<80x512xf32, #tpu.memory_space<vmem>>, vector<16xf32>,
      tpu.vector_store %arg5[%parallel_loop3A_172, %parallel_loop3A_173], %parallel_loop3A_170 {strides = array<i32>} : memref<80x512xf32, #tpu.memory_space<vmem>>, vector<16xf32>,
      %parallel_loop3A_175 = arith.constant 29 : i32
      %parallel_loop3A_176 = arith.index_cast %parallel_loop3A_175 : i32 to index
      %parallel_loop3A_177 = arith.index_cast %parallel_loop3A_10 : i32 to index
      %parallel_loop3A_178 = tpu.vector_load %arg5[%parallel_loop3A_176, %parallel_loop3A_177] {strides = array<i32>} : memref<80x512xf32, #tpu.memory_space<vmem>>, vector<16xf32>,
      tpu.vector_store %arg5[%parallel_loop3A_176, %parallel_loop3A_177], %parallel_loop3A_170 {strides = array<i32>} : memref<80x512xf32, #tpu.memory_space<vmem>>, vector<16xf32>,
      %parallel_loop3A_179 = arith.constant 30 : i32
      %parallel_loop3A_180 = arith.index_cast %parallel_loop3A_179 : i32 to index
      %parallel_loop3A_181 = arith.index_cast %parallel_loop3A_10 : i32 to index
      %parallel_loop3A_182 = tpu.vector_load %arg5[%parallel_loop3A_180, %parallel_loop3A_181] {strides = array<i32>} : memref<80x512xf32, #tpu.memory_space<vmem>>, vector<16xf32>,
      tpu.vector_store %arg5[%parallel_loop3A_180, %parallel_loop3A_181], %parallel_loop3A_170 {strides = array<i32>} : memref<80x512xf32, #tpu.memory_space<vmem>>, vector<16xf32>,
      %parallel_loop3A_183 = arith.constant 31 : i32
      %parallel_loop3A_184 = arith.index_cast %parallel_loop3A_183 : i32 to index
      %parallel_loop3A_185 = arith.index_cast %parallel_loop3A_10 : i32 to index
      %parallel_loop3A_186 = tpu.vector_load %arg5[%parallel_loop3A_184, %parallel_loop3A_185] {strides = array<i32>} : memref<80x512xf32, #tpu.memory_space<vmem>>, vector<16xf32>,
      tpu.vector_store %arg5[%parallel_loop3A_184, %parallel_loop3A_185], %parallel_loop3A_170 {strides = array<i32>} : memref<80x512xf32, #tpu.memory_space<vmem>>, vector<16xf32>,
      %parallel_loop3A_187 = arith.constant 8 : i32
      %parallel_loop3A_188 = arith.index_cast %parallel_loop3A_187 : i32 to index
      %parallel_loop3A_189 = arith.index_cast %parallel_loop3A_10 : i32 to index
      %parallel_loop3A_190 = tpu.vector_load %arg4[%parallel_loop3A_188, %parallel_loop3A_189] {strides = array<i32>} : memref<20x512xf32, #tpu.memory_space<vmem>>, vector<16xf32>,
      %parallel_loop3A_191 = arith.maximumf %parallel_loop3A_190, %broadcast_in_dim3A_3 : vector<16xf32>
      %parallel_loop3A_192 = arith.minimumf %parallel_loop3A_191, %broadcast_in_dim3A_5 : vector<16xf32>
      %parallel_loop3A_193 = arith.constant 32 : i32
      %parallel_loop3A_194 = arith.index_cast %parallel_loop3A_193 : i32 to index
      %parallel_loop3A_195 = arith.index_cast %parallel_loop3A_10 : i32 to index
      %parallel_loop3A_196 = tpu.vector_load %arg5[%parallel_loop3A_194, %parallel_loop3A_195] {strides = array<i32>} : memref<80x512xf32, #tpu.memory_space<vmem>>, vector<16xf32>,
      tpu.vector_store %arg5[%parallel_loop3A_194, %parallel_loop3A_195], %parallel_loop3A_192 {strides = array<i32>} : memref<80x512xf32, #tpu.memory_space<vmem>>, vector<16xf32>,
      %parallel_loop3A_197 = arith.constant 33 : i32
      %parallel_loop3A_198 = arith.index_cast %parallel_loop3A_197 : i32 to index
      %parallel_loop3A_199 = arith.index_cast %parallel_loop3A_10 : i32 to index
      %parallel_loop3A_200 = tpu.vector_load %arg5[%parallel_loop3A_198, %parallel_loop3A_199] {strides = array<i32>} : memref<80x512xf32, #tpu.memory_space<vmem>>, vector<16xf32>,
      tpu.vector_store %arg5[%parallel_loop3A_198, %parallel_loop3A_199], %parallel_loop3A_192 {strides = array<i32>} : memref<80x512xf32, #tpu.memory_space<vmem>>, vector<16xf32>,
      %parallel_loop3A_201 = arith.constant 34 : i32
      %parallel_loop3A_202 = arith.index_cast %parallel_loop3A_201 : i32 to index
      %parallel_loop3A_203 = arith.index_cast %parallel_loop3A_10 : i32 to index
      %parallel_loop3A_204 = tpu.vector_load %arg5[%parallel_loop3A_202, %parallel_loop3A_203] {strides = array<i32>} : memref<80x512xf32, #tpu.memory_space<vmem>>, vector<16xf32>,
      tpu.vector_store %arg5[%parallel_loop3A_202, %parallel_loop3A_203], %parallel_loop3A_192 {strides = array<i32>} : memref<80x512xf32, #tpu.memory_space<vmem>>, vector<16xf32>,
      %parallel_loop3A_205 = arith.constant 35 : i32
      %parallel_loop3A_206 = arith.index_cast %parallel_loop3A_205 : i32 to index
      %parallel_loop3A_207 = arith.index_cast %parallel_loop3A_10 : i32 to index
      %parallel_loop3A_208 = tpu.vector_load %arg5[%parallel_loop3A_206, %parallel_loop3A_207] {strides = array<i32>} : memref<80x512xf32, #tpu.memory_space<vmem>>, vector<16xf32>,
      tpu.vector_store %arg5[%parallel_loop3A_206, %parallel_loop3A_207], %parallel_loop3A_192 {strides = array<i32>} : memref<80x512xf32, #tpu.memory_space<vmem>>, vector<16xf32>,
      %parallel_loop3A_209 = arith.constant 9 : i32
      %parallel_loop3A_210 = arith.index_cast %parallel_loop3A_209 : i32 to index
      %parallel_loop3A_211 = arith.index_cast %parallel_loop3A_10 : i32 to index
      %parallel_loop3A_212 = tpu.vector_load %arg4[%parallel_loop3A_210, %parallel_loop3A_211] {strides = array<i32>} : memref<20x512xf32, #tpu.memory_space<vmem>>, vector<16xf32>,
      %parallel_loop3A_213 = arith.maximumf %parallel_loop3A_212, %broadcast_in_dim3A_3 : vector<16xf32>
      %parallel_loop3A_214 = arith.minimumf %parallel_loop3A_213, %broadcast_in_dim3A_5 : vector<16xf32>
      %parallel_loop3A_215 = arith.constant 36 : i32
      %parallel_loop3A_216 = arith.index_cast %parallel_loop3A_215 : i32 to index
      %parallel_loop3A_217 = arith.index_cast %parallel_loop3A_10 : i32 to index
      %parallel_loop3A_218 = tpu.vector_load %arg5[%parallel_loop3A_216, %parallel_loop3A_217] {strides = array<i32>} : memref<80x512xf32, #tpu.memory_space<vmem>>, vector<16xf32>,
      tpu.vector_store %arg5[%parallel_loop3A_216, %parallel_loop3A_217], %parallel_loop3A_214 {strides = array<i32>} : memref<80x512xf32, #tpu.memory_space<vmem>>, vector<16xf32>,
      %parallel_loop3A_219 = arith.constant 37 : i32
      %parallel_loop3A_220 = arith.index_cast %parallel_loop3A_219 : i32 to index
      %parallel_loop3A_221 = arith.index_cast %parallel_loop3A_10 : i32 to index
      %parallel_loop3A_222 = tpu.vector_load %arg5[%parallel_loop3A_220, %parallel_loop3A_221] {strides = array<i32>} : memref<80x512xf32, #tpu.memory_space<vmem>>, vector<16xf32>,
      tpu.vector_store %arg5[%parallel_loop3A_220, %parallel_loop3A_221], %parallel_loop3A_214 {strides = array<i32>} : memref<80x512xf32, #tpu.memory_space<vmem>>, vector<16xf32>,
      %parallel_loop3A_223 = arith.constant 38 : i32
      %parallel_loop3A_224 = arith.index_cast %parallel_loop3A_223 : i32 to index
      %parallel_loop3A_225 = arith.index_cast %parallel_loop3A_10 : i32 to index
      %parallel_loop3A_226 = tpu.vector_load %arg5[%parallel_loop3A_224, %parallel_loop3A_225] {strides = array<i32>} : memref<80x512xf32, #tpu.memory_space<vmem>>, vector<16xf32>,
      tpu.vector_store %arg5[%parallel_loop3A_224, %parallel_loop3A_225], %parallel_loop3A_214 {strides = array<i32>} : memref<80x512xf32, #tpu.memory_space<vmem>>, vector<16xf32>,
      %parallel_loop3A_227 = arith.constant 39 : i32
      %parallel_loop3A_228 = arith.index_cast %parallel_loop3A_227 : i32 to index
      %parallel_loop3A_229 = arith.index_cast %parallel_loop3A_10 : i32 to index
      %parallel_loop3A_230 = tpu.vector_load %arg5[%parallel_loop3A_228, %parallel_loop3A_229] {strides = array<i32>} : memref<80x512xf32, #tpu.memory_space<vmem>>, vector<16xf32>,
      tpu.vector_store %arg5[%parallel_loop3A_228, %parallel_loop3A_229], %parallel_loop3A_214 {strides = array<i32>} : memref<80x512xf32, #tpu.memory_space<vmem>>, vector<16xf32>,
      %parallel_loop3A_231 = arith.constant 10 : i32
      %parallel_loop3A_232 = arith.index_cast %parallel_loop3A_231 : i32 to index
      %parallel_loop3A_233 = arith.index_cast %parallel_loop3A_10 : i32 to index
      %parallel_loop3A_234 = tpu.vector_load %arg4[%parallel_loop3A_232, %parallel_loop3A_233] {strides = array<i32>} : memref<20x512xf32, #tpu.memory_space<vmem>>, vector<16xf32>,
      %parallel_loop3A_235 = arith.maximumf %parallel_loop3A_234, %broadcast_in_dim3A_3 : vector<16xf32>
      %parallel_loop3A_236 = arith.minimumf %parallel_loop3A_235, %broadcast_in_dim3A_5 : vector<16xf32>
      %parallel_loop3A_237 = arith.constant 40 : i32
      %parallel_loop3A_238 = arith.index_cast %parallel_loop3A_237 : i32 to index
      %parallel_loop3A_239 = arith.index_cast %parallel_loop3A_10 : i32 to index
      %parallel_loop3A_240 = tpu.vector_load %arg5[%parallel_loop3A_238, %parallel_loop3A_239] {strides = array<i32>} : memref<80x512xf32, #tpu.memory_space<vmem>>, vector<16xf32>,
      tpu.vector_store %arg5[%parallel_loop3A_238, %parallel_loop3A_239], %parallel_loop3A_236 {strides = array<i32>} : memref<80x512xf32, #tpu.memory_space<vmem>>, vector<16xf32>,
      %parallel_loop3A_241 = arith.constant 41 : i32
      %parallel_loop3A_242 = arith.index_cast %parallel_loop3A_241 : i32 to index
      %parallel_loop3A_243 = arith.index_cast %parallel_loop3A_10 : i32 to index
      %parallel_loop3A_244 = tpu.vector_load %arg5[%parallel_loop3A_242, %parallel_loop3A_243] {strides = array<i32>} : memref<80x512xf32, #tpu.memory_space<vmem>>, vector<16xf32>,
      tpu.vector_store %arg5[%parallel_loop3A_242, %parallel_loop3A_243], %parallel_loop3A_236 {strides = array<i32>} : memref<80x512xf32, #tpu.memory_space<vmem>>, vector<16xf32>,
      %parallel_loop3A_245 = arith.constant 42 : i32
      %parallel_loop3A_246 = arith.index_cast %parallel_loop3A_245 : i32 to index
      %parallel_loop3A_247 = arith.index_cast %parallel_loop3A_10 : i32 to index
      %parallel_loop3A_248 = tpu.vector_load %arg5[%parallel_loop3A_246, %parallel_loop3A_247] {strides = array<i32>} : memref<80x512xf32, #tpu.memory_space<vmem>>, vector<16xf32>,
      tpu.vector_store %arg5[%parallel_loop3A_246, %parallel_loop3A_247], %parallel_loop3A_236 {strides = array<i32>} : memref<80x512xf32, #tpu.memory_space<vmem>>, vector<16xf32>,
      %parallel_loop3A_249 = arith.constant 43 : i32
      %parallel_loop3A_250 = arith.index_cast %parallel_loop3A_249 : i32 to index
      %parallel_loop3A_251 = arith.index_cast %parallel_loop3A_10 : i32 to index
      %parallel_loop3A_252 = tpu.vector_load %arg5[%parallel_loop3A_250, %parallel_loop3A_251] {strides = array<i32>} : memref<80x512xf32, #tpu.memory_space<vmem>>, vector<16xf32>,
      tpu.vector_store %arg5[%parallel_loop3A_250, %parallel_loop3A_251], %parallel_loop3A_236 {strides = array<i32>} : memref<80x512xf32, #tpu.memory_space<vmem>>, vector<16xf32>,
      %parallel_loop3A_253 = arith.constant 11 : i32
      %parallel_loop3A_254 = arith.index_cast %parallel_loop3A_253 : i32 to index
      %parallel_loop3A_255 = arith.index_cast %parallel_loop3A_10 : i32 to index
      %parallel_loop3A_256 = tpu.vector_load %arg4[%parallel_loop3A_254, %parallel_loop3A_255] {strides = array<i32>} : memref<20x512xf32, #tpu.memory_space<vmem>>, vector<16xf32>,
      %parallel_loop3A_257 = arith.maximumf %parallel_loop3A_256, %broadcast_in_dim3A_3 : vector<16xf32>
      %parallel_loop3A_258 = arith.minimumf %parallel_loop3A_257, %broadcast_in_dim3A_5 : vector<16xf32>
      %parallel_loop3A_259 = arith.constant 44 : i32
      %parallel_loop3A_260 = arith.index_cast %parallel_loop3A_259 : i32 to index
      %parallel_loop3A_261 = arith.index_cast %parallel_loop3A_10 : i32 to index
      %parallel_loop3A_262 = tpu.vector_load %arg5[%parallel_loop3A_260, %parallel_loop3A_261] {strides = array<i32>} : memref<80x512xf32, #tpu.memory_space<vmem>>, vector<16xf32>,
      tpu.vector_store %arg5[%parallel_loop3A_260, %parallel_loop3A_261], %parallel_loop3A_258 {strides = array<i32>} : memref<80x512xf32, #tpu.memory_space<vmem>>, vector<16xf32>,
      %parallel_loop3A_263 = arith.constant 45 : i32
      %parallel_loop3A_264 = arith.index_cast %parallel_loop3A_263 : i32 to index
      %parallel_loop3A_265 = arith.index_cast %parallel_loop3A_10 : i32 to index
      %parallel_loop3A_266 = tpu.vector_load %arg5[%parallel_loop3A_264, %parallel_loop3A_265] {strides = array<i32>} : memref<80x512xf32, #tpu.memory_space<vmem>>, vector<16xf32>,
      tpu.vector_store %arg5[%parallel_loop3A_264, %parallel_loop3A_265], %parallel_loop3A_258 {strides = array<i32>} : memref<80x512xf32, #tpu.memory_space<vmem>>, vector<16xf32>,
      %parallel_loop3A_267 = arith.constant 46 : i32
      %parallel_loop3A_268 = arith.index_cast %parallel_loop3A_267 : i32 to index
      %parallel_loop3A_269 = arith.index_cast %parallel_loop3A_10 : i32 to index
      %parallel_loop3A_270 = tpu.vector_load %arg5[%parallel_loop3A_268, %parallel_loop3A_269] {strides = array<i32>} : memref<80x512xf32, #tpu.memory_space<vmem>>, vector<16xf32>,
      tpu.vector_store %arg5[%parallel_loop3A_268, %parallel_loop3A_269], %parallel_loop3A_258 {strides = array<i32>} : memref<80x512xf32, #tpu.memory_space<vmem>>, vector<16xf32>,
      %parallel_loop3A_271 = arith.constant 47 : i32
      %parallel_loop3A_272 = arith.index_cast %parallel_loop3A_271 : i32 to index
      %parallel_loop3A_273 = arith.index_cast %parallel_loop3A_10 : i32 to index
      %parallel_loop3A_274 = tpu.vector_load %arg5[%parallel_loop3A_272, %parallel_loop3A_273] {strides = array<i32>} : memref<80x512xf32, #tpu.memory_space<vmem>>, vector<16xf32>,
      tpu.vector_store %arg5[%parallel_loop3A_272, %parallel_loop3A_273], %parallel_loop3A_258 {strides = array<i32>} : memref<80x512xf32, #tpu.memory_space<vmem>>, vector<16xf32>,
      %parallel_loop3A_275 = arith.constant 12 : i32
      %parallel_loop3A_276 = arith.index_cast %parallel_loop3A_275 : i32 to index
      %parallel_loop3A_277 = arith.index_cast %parallel_loop3A_10 : i32 to index
      %parallel_loop3A_278 = tpu.vector_load %arg4[%parallel_loop3A_276, %parallel_loop3A_277] {strides = array<i32>} : memref<20x512xf32, #tpu.memory_space<vmem>>, vector<16xf32>,
      %parallel_loop3A_279 = arith.maximumf %parallel_loop3A_278, %broadcast_in_dim3A_3 : vector<16xf32>
      %parallel_loop3A_280 = arith.minimumf %parallel_loop3A_279, %broadcast_in_dim3A_5 : vector<16xf32>
      %parallel_loop3A_281 = arith.constant 48 : i32
      %parallel_loop3A_282 = arith.index_cast %parallel_loop3A_281 : i32 to index
      %parallel_loop3A_283 = arith.index_cast %parallel_loop3A_10 : i32 to index
      %parallel_loop3A_284 = tpu.vector_load %arg5[%parallel_loop3A_282, %parallel_loop3A_283] {strides = array<i32>} : memref<80x512xf32, #tpu.memory_space<vmem>>, vector<16xf32>,
      tpu.vector_store %arg5[%parallel_loop3A_282, %parallel_loop3A_283], %parallel_loop3A_280 {strides = array<i32>} : memref<80x512xf32, #tpu.memory_space<vmem>>, vector<16xf32>,
      %parallel_loop3A_285 = arith.constant 49 : i32
      %parallel_loop3A_286 = arith.index_cast %parallel_loop3A_285 : i32 to index
      %parallel_loop3A_287 = arith.index_cast %parallel_loop3A_10 : i32 to index
      %parallel_loop3A_288 = tpu.vector_load %arg5[%parallel_loop3A_286, %parallel_loop3A_287] {strides = array<i32>} : memref<80x512xf32, #tpu.memory_space<vmem>>, vector<16xf32>,
      tpu.vector_store %arg5[%parallel_loop3A_286, %parallel_loop3A_287], %parallel_loop3A_280 {strides = array<i32>} : memref<80x512xf32, #tpu.memory_space<vmem>>, vector<16xf32>,
      %parallel_loop3A_289 = arith.constant 50 : i32
      %parallel_loop3A_290 = arith.index_cast %parallel_loop3A_289 : i32 to index
      %parallel_loop3A_291 = arith.index_cast %parallel_loop3A_10 : i32 to index
      %parallel_loop3A_292 = tpu.vector_load %arg5[%parallel_loop3A_290, %parallel_loop3A_291] {strides = array<i32>} : memref<80x512xf32, #tpu.memory_space<vmem>>, vector<16xf32>,
      tpu.vector_store %arg5[%parallel_loop3A_290, %parallel_loop3A_291], %parallel_loop3A_280 {strides = array<i32>} : memref<80x512xf32, #tpu.memory_space<vmem>>, vector<16xf32>,
      %parallel_loop3A_293 = arith.constant 51 : i32
      %parallel_loop3A_294 = arith.index_cast %parallel_loop3A_293 : i32 to index
      %parallel_loop3A_295 = arith.index_cast %parallel_loop3A_10 : i32 to index
      %parallel_loop3A_296 = tpu.vector_load %arg5[%parallel_loop3A_294, %parallel_loop3A_295] {strides = array<i32>} : memref<80x512xf32, #tpu.memory_space<vmem>>, vector<16xf32>,
      tpu.vector_store %arg5[%parallel_loop3A_294, %parallel_loop3A_295], %parallel_loop3A_280 {strides = array<i32>} : memref<80x512xf32, #tpu.memory_space<vmem>>, vector<16xf32>,
      %parallel_loop3A_297 = arith.constant 13 : i32
      %parallel_loop3A_298 = arith.index_cast %parallel_loop3A_297 : i32 to index
      %parallel_loop3A_299 = arith.index_cast %parallel_loop3A_10 : i32 to index
      %parallel_loop3A_300 = tpu.vector_load %arg4[%parallel_loop3A_298, %parallel_loop3A_299] {strides = array<i32>} : memref<20x512xf32, #tpu.memory_space<vmem>>, vector<16xf32>,
      %parallel_loop3A_301 = arith.maximumf %parallel_loop3A_300, %broadcast_in_dim3A_3 : vector<16xf32>
      %parallel_loop3A_302 = arith.minimumf %parallel_loop3A_301, %broadcast_in_dim3A_5 : vector<16xf32>
      %parallel_loop3A_303 = arith.constant 52 : i32
      %parallel_loop3A_304 = arith.index_cast %parallel_loop3A_303 : i32 to index
      %parallel_loop3A_305 = arith.index_cast %parallel_loop3A_10 : i32 to index
      %parallel_loop3A_306 = tpu.vector_load %arg5[%parallel_loop3A_304, %parallel_loop3A_305] {strides = array<i32>} : memref<80x512xf32, #tpu.memory_space<vmem>>, vector<16xf32>,
      tpu.vector_store %arg5[%parallel_loop3A_304, %parallel_loop3A_305], %parallel_loop3A_302 {strides = array<i32>} : memref<80x512xf32, #tpu.memory_space<vmem>>, vector<16xf32>,
      %parallel_loop3A_307 = arith.constant 53 : i32
      %parallel_loop3A_308 = arith.index_cast %parallel_loop3A_307 : i32 to index
      %parallel_loop3A_309 = arith.index_cast %parallel_loop3A_10 : i32 to index
      %parallel_loop3A_310 = tpu.vector_load %arg5[%parallel_loop3A_308, %parallel_loop3A_309] {strides = array<i32>} : memref<80x512xf32, #tpu.memory_space<vmem>>, vector<16xf32>,
      tpu.vector_store %arg5[%parallel_loop3A_308, %parallel_loop3A_309], %parallel_loop3A_302 {strides = array<i32>} : memref<80x512xf32, #tpu.memory_space<vmem>>, vector<16xf32>,
      %parallel_loop3A_311 = arith.constant 54 : i32
      %parallel_loop3A_312 = arith.index_cast %parallel_loop3A_311 : i32 to index
      %parallel_loop3A_313 = arith.index_cast %parallel_loop3A_10 : i32 to index
      %parallel_loop3A_314 = tpu.vector_load %arg5[%parallel_loop3A_312, %parallel_loop3A_313] {strides = array<i32>} : memref<80x512xf32, #tpu.memory_space<vmem>>, vector<16xf32>,
      tpu.vector_store %arg5[%parallel_loop3A_312, %parallel_loop3A_313], %parallel_loop3A_302 {strides = array<i32>} : memref<80x512xf32, #tpu.memory_space<vmem>>, vector<16xf32>,
      %parallel_loop3A_315 = arith.constant 55 : i32
      %parallel_loop3A_316 = arith.index_cast %parallel_loop3A_315 : i32 to index
      %parallel_loop3A_317 = arith.index_cast %parallel_loop3A_10 : i32 to index
      %parallel_loop3A_318 = tpu.vector_load %arg5[%parallel_loop3A_316, %parallel_loop3A_317] {strides = array<i32>} : memref<80x512xf32, #tpu.memory_space<vmem>>, vector<16xf32>,
      tpu.vector_store %arg5[%parallel_loop3A_316, %parallel_loop3A_317], %parallel_loop3A_302 {strides = array<i32>} : memref<80x512xf32, #tpu.memory_space<vmem>>, vector<16xf32>,
      %parallel_loop3A_319 = arith.constant 14 : i32
      %parallel_loop3A_320 = arith.index_cast %parallel_loop3A_319 : i32 to index
      %parallel_loop3A_321 = arith.index_cast %parallel_loop3A_10 : i32 to index
      %parallel_loop3A_322 = tpu.vector_load %arg4[%parallel_loop3A_320, %parallel_loop3A_321] {strides = array<i32>} : memref<20x512xf32, #tpu.memory_space<vmem>>, vector<16xf32>,
      %parallel_loop3A_323 = arith.maximumf %parallel_loop3A_322, %broadcast_in_dim3A_3 : vector<16xf32>
      %parallel_loop3A_324 = arith.minimumf %parallel_loop3A_323, %broadcast_in_dim3A_5 : vector<16xf32>
      %parallel_loop3A_325 = arith.constant 56 : i32
      %parallel_loop3A_326 = arith.index_cast %parallel_loop3A_325 : i32 to index
      %parallel_loop3A_327 = arith.index_cast %parallel_loop3A_10 : i32 to index
      %parallel_loop3A_328 = tpu.vector_load %arg5[%parallel_loop3A_326, %parallel_loop3A_327] {strides = array<i32>} : memref<80x512xf32, #tpu.memory_space<vmem>>, vector<16xf32>,
      tpu.vector_store %arg5[%parallel_loop3A_326, %parallel_loop3A_327], %parallel_loop3A_324 {strides = array<i32>} : memref<80x512xf32, #tpu.memory_space<vmem>>, vector<16xf32>,
      %parallel_loop3A_329 = arith.constant 57 : i32
      %parallel_loop3A_330 = arith.index_cast %parallel_loop3A_329 : i32 to index
      %parallel_loop3A_331 = arith.index_cast %parallel_loop3A_10 : i32 to index
      %parallel_loop3A_332 = tpu.vector_load %arg5[%parallel_loop3A_330, %parallel_loop3A_331] {strides = array<i32>} : memref<80x512xf32, #tpu.memory_space<vmem>>, vector<16xf32>,
      tpu.vector_store %arg5[%parallel_loop3A_330, %parallel_loop3A_331], %parallel_loop3A_324 {strides = array<i32>} : memref<80x512xf32, #tpu.memory_space<vmem>>, vector<16xf32>,
      %parallel_loop3A_333 = arith.constant 58 : i32
      %parallel_loop3A_334 = arith.index_cast %parallel_loop3A_333 : i32 to index
      %parallel_loop3A_335 = arith.index_cast %parallel_loop3A_10 : i32 to index
      %parallel_loop3A_336 = tpu.vector_load %arg5[%parallel_loop3A_334, %parallel_loop3A_335] {strides = array<i32>} : memref<80x512xf32, #tpu.memory_space<vmem>>, vector<16xf32>,
      tpu.vector_store %arg5[%parallel_loop3A_334, %parallel_loop3A_335], %parallel_loop3A_324 {strides = array<i32>} : memref<80x512xf32, #tpu.memory_space<vmem>>, vector<16xf32>,
      %parallel_loop3A_337 = arith.constant 59 : i32
      %parallel_loop3A_338 = arith.index_cast %parallel_loop3A_337 : i32 to index
      %parallel_loop3A_339 = arith.index_cast %parallel_loop3A_10 : i32 to index
      %parallel_loop3A_340 = tpu.vector_load %arg5[%parallel_loop3A_338, %parallel_loop3A_339] {strides = array<i32>} : memref<80x512xf32, #tpu.memory_space<vmem>>, vector<16xf32>,
      tpu.vector_store %arg5[%parallel_loop3A_338, %parallel_loop3A_339], %parallel_loop3A_324 {strides = array<i32>} : memref<80x512xf32, #tpu.memory_space<vmem>>, vector<16xf32>,
      %parallel_loop3A_341 = arith.constant 15 : i32
      %parallel_loop3A_342 = arith.index_cast %parallel_loop3A_341 : i32 to index
      %parallel_loop3A_343 = arith.index_cast %parallel_loop3A_10 : i32 to index
      %parallel_loop3A_344 = tpu.vector_load %arg4[%parallel_loop3A_342, %parallel_loop3A_343] {strides = array<i32>} : memref<20x512xf32, #tpu.memory_space<vmem>>, vector<16xf32>,
      %parallel_loop3A_345 = arith.maximumf %parallel_loop3A_344, %broadcast_in_dim3A_3 : vector<16xf32>
      %parallel_loop3A_346 = arith.minimumf %parallel_loop3A_345, %broadcast_in_dim3A_5 : vector<16xf32>
      %parallel_loop3A_347 = arith.constant 60 : i32
      %parallel_loop3A_348 = arith.index_cast %parallel_loop3A_347 : i32 to index
      %parallel_loop3A_349 = arith.index_cast %parallel_loop3A_10 : i32 to index
      %parallel_loop3A_350 = tpu.vector_load %arg5[%parallel_loop3A_348, %parallel_loop3A_349] {strides = array<i32>} : memref<80x512xf32, #tpu.memory_space<vmem>>, vector<16xf32>,
      tpu.vector_store %arg5[%parallel_loop3A_348, %parallel_loop3A_349], %parallel_loop3A_346 {strides = array<i32>} : memref<80x512xf32, #tpu.memory_space<vmem>>, vector<16xf32>,
      %parallel_loop3A_351 = arith.constant 61 : i32
      %parallel_loop3A_352 = arith.index_cast %parallel_loop3A_351 : i32 to index
      %parallel_loop3A_353 = arith.index_cast %parallel_loop3A_10 : i32 to index
      %parallel_loop3A_354 = tpu.vector_load %arg5[%parallel_loop3A_352, %parallel_loop3A_353] {strides = array<i32>} : memref<80x512xf32, #tpu.memory_space<vmem>>, vector<16xf32>,
      tpu.vector_store %arg5[%parallel_loop3A_352, %parallel_loop3A_353], %parallel_loop3A_346 {strides = array<i32>} : memref<80x512xf32, #tpu.memory_space<vmem>>, vector<16xf32>,
      %parallel_loop3A_355 = arith.constant 62 : i32
      %parallel_loop3A_356 = arith.index_cast %parallel_loop3A_355 : i32 to index
      %parallel_loop3A_357 = arith.index_cast %parallel_loop3A_10 : i32 to index
      %parallel_loop3A_358 = tpu.vector_load %arg5[%parallel_loop3A_356, %parallel_loop3A_357] {strides = array<i32>} : memref<80x512xf32, #tpu.memory_space<vmem>>, vector<16xf32>,
      tpu.vector_store %arg5[%parallel_loop3A_356, %parallel_loop3A_357], %parallel_loop3A_346 {strides = array<i32>} : memref<80x512xf32, #tpu.memory_space<vmem>>, vector<16xf32>,
      %parallel_loop3A_359 = arith.constant 63 : i32
      %parallel_loop3A_360 = arith.index_cast %parallel_loop3A_359 : i32 to index
      %parallel_loop3A_361 = arith.index_cast %parallel_loop3A_10 : i32 to index
      %parallel_loop3A_362 = tpu.vector_load %arg5[%parallel_loop3A_360, %parallel_loop3A_361] {strides = array<i32>} : memref<80x512xf32, #tpu.memory_space<vmem>>, vector<16xf32>,
      tpu.vector_store %arg5[%parallel_loop3A_360, %parallel_loop3A_361], %parallel_loop3A_346 {strides = array<i32>} : memref<80x512xf32, #tpu.memory_space<vmem>>, vector<16xf32>,
      %parallel_loop3A_363 = arith.constant 16 : i32
      %parallel_loop3A_364 = arith.index_cast %parallel_loop3A_363 : i32 to index
      %parallel_loop3A_365 = arith.index_cast %parallel_loop3A_10 : i32 to index
      %parallel_loop3A_366 = tpu.vector_load %arg4[%parallel_loop3A_364, %parallel_loop3A_365] {strides = array<i32>} : memref<20x512xf32, #tpu.memory_space<vmem>>, vector<16xf32>,
      %parallel_loop3A_367 = arith.maximumf %parallel_loop3A_366, %broadcast_in_dim3A_3 : vector<16xf32>
      %parallel_loop3A_368 = arith.minimumf %parallel_loop3A_367, %broadcast_in_dim3A_5 : vector<16xf32>
      %parallel_loop3A_369 = arith.constant 64 : i32
      %parallel_loop3A_370 = arith.index_cast %parallel_loop3A_369 : i32 to index
      %parallel_loop3A_371 = arith.index_cast %parallel_loop3A_10 : i32 to index
      %parallel_loop3A_372 = tpu.vector_load %arg5[%parallel_loop3A_370, %parallel_loop3A_371] {strides = array<i32>} : memref<80x512xf32, #tpu.memory_space<vmem>>, vector<16xf32>,
      tpu.vector_store %arg5[%parallel_loop3A_370, %parallel_loop3A_371], %parallel_loop3A_368 {strides = array<i32>} : memref<80x512xf32, #tpu.memory_space<vmem>>, vector<16xf32>,
      %parallel_loop3A_373 = arith.constant 65 : i32
      %parallel_loop3A_374 = arith.index_cast %parallel_loop3A_373 : i32 to index
      %parallel_loop3A_375 = arith.index_cast %parallel_loop3A_10 : i32 to index
      %parallel_loop3A_376 = tpu.vector_load %arg5[%parallel_loop3A_374, %parallel_loop3A_375] {strides = array<i32>} : memref<80x512xf32, #tpu.memory_space<vmem>>, vector<16xf32>,
      tpu.vector_store %arg5[%parallel_loop3A_374, %parallel_loop3A_375], %parallel_loop3A_368 {strides = array<i32>} : memref<80x512xf32, #tpu.memory_space<vmem>>, vector<16xf32>,
      %parallel_loop3A_377 = arith.constant 66 : i32
      %parallel_loop3A_378 = arith.index_cast %parallel_loop3A_377 : i32 to index
      %parallel_loop3A_379 = arith.index_cast %parallel_loop3A_10 : i32 to index
      %parallel_loop3A_380 = tpu.vector_load %arg5[%parallel_loop3A_378, %parallel_loop3A_379] {strides = array<i32>} : memref<80x512xf32, #tpu.memory_space<vmem>>, vector<16xf32>,
      tpu.vector_store %arg5[%parallel_loop3A_378, %parallel_loop3A_379], %parallel_loop3A_368 {strides = array<i32>} : memref<80x512xf32, #tpu.memory_space<vmem>>, vector<16xf32>,
      %parallel_loop3A_381 = arith.constant 67 : i32
      %parallel_loop3A_382 = arith.index_cast %parallel_loop3A_381 : i32 to index
      %parallel_loop3A_383 = arith.index_cast %parallel_loop3A_10 : i32 to index
      %parallel_loop3A_384 = tpu.vector_load %arg5[%parallel_loop3A_382, %parallel_loop3A_383] {strides = array<i32>} : memref<80x512xf32, #tpu.memory_space<vmem>>, vector<16xf32>,
      tpu.vector_store %arg5[%parallel_loop3A_382, %parallel_loop3A_383], %parallel_loop3A_368 {strides = array<i32>} : memref<80x512xf32, #tpu.memory_space<vmem>>, vector<16xf32>,
      %parallel_loop3A_385 = arith.constant 17 : i32
      %parallel_loop3A_386 = arith.index_cast %parallel_loop3A_385 : i32 to index
      %parallel_loop3A_387 = arith.index_cast %parallel_loop3A_10 : i32 to index
      %parallel_loop3A_388 = tpu.vector_load %arg4[%parallel_loop3A_386, %parallel_loop3A_387] {strides = array<i32>} : memref<20x512xf32, #tpu.memory_space<vmem>>, vector<16xf32>,
      %parallel_loop3A_389 = arith.maximumf %parallel_loop3A_388, %broadcast_in_dim3A_3 : vector<16xf32>
      %parallel_loop3A_390 = arith.minimumf %parallel_loop3A_389, %broadcast_in_dim3A_5 : vector<16xf32>
      %parallel_loop3A_391 = arith.constant 68 : i32
      %parallel_loop3A_392 = arith.index_cast %parallel_loop3A_391 : i32 to index
      %parallel_loop3A_393 = arith.index_cast %parallel_loop3A_10 : i32 to index
      %parallel_loop3A_394 = tpu.vector_load %arg5[%parallel_loop3A_392, %parallel_loop3A_393] {strides = array<i32>} : memref<80x512xf32, #tpu.memory_space<vmem>>, vector<16xf32>,
      tpu.vector_store %arg5[%parallel_loop3A_392, %parallel_loop3A_393], %parallel_loop3A_390 {strides = array<i32>} : memref<80x512xf32, #tpu.memory_space<vmem>>, vector<16xf32>,
      %parallel_loop3A_395 = arith.constant 69 : i32
      %parallel_loop3A_396 = arith.index_cast %parallel_loop3A_395 : i32 to index
      %parallel_loop3A_397 = arith.index_cast %parallel_loop3A_10 : i32 to index
      %parallel_loop3A_398 = tpu.vector_load %arg5[%parallel_loop3A_396, %parallel_loop3A_397] {strides = array<i32>} : memref<80x512xf32, #tpu.memory_space<vmem>>, vector<16xf32>,
      tpu.vector_store %arg5[%parallel_loop3A_396, %parallel_loop3A_397], %parallel_loop3A_390 {strides = array<i32>} : memref<80x512xf32, #tpu.memory_space<vmem>>, vector<16xf32>,
      %parallel_loop3A_399 = arith.constant 70 : i32
      %parallel_loop3A_400 = arith.index_cast %parallel_loop3A_399 : i32 to index
      %parallel_loop3A_401 = arith.index_cast %parallel_loop3A_10 : i32 to index
      %parallel_loop3A_402 = tpu.vector_load %arg5[%parallel_loop3A_400, %parallel_loop3A_401] {strides = array<i32>} : memref<80x512xf32, #tpu.memory_space<vmem>>, vector<16xf32>,
      tpu.vector_store %arg5[%parallel_loop3A_400, %parallel_loop3A_401], %parallel_loop3A_390 {strides = array<i32>} : memref<80x512xf32, #tpu.memory_space<vmem>>, vector<16xf32>,
      %parallel_loop3A_403 = arith.constant 71 : i32
      %parallel_loop3A_404 = arith.index_cast %parallel_loop3A_403 : i32 to index
      %parallel_loop3A_405 = arith.index_cast %parallel_loop3A_10 : i32 to index
      %parallel_loop3A_406 = tpu.vector_load %arg5[%parallel_loop3A_404, %parallel_loop3A_405] {strides = array<i32>} : memref<80x512xf32, #tpu.memory_space<vmem>>, vector<16xf32>,
      tpu.vector_store %arg5[%parallel_loop3A_404, %parallel_loop3A_405], %parallel_loop3A_390 {strides = array<i32>} : memref<80x512xf32, #tpu.memory_space<vmem>>, vector<16xf32>,
      %parallel_loop3A_407 = arith.constant 18 : i32
      %parallel_loop3A_408 = arith.index_cast %parallel_loop3A_407 : i32 to index
      %parallel_loop3A_409 = arith.index_cast %parallel_loop3A_10 : i32 to index
      %parallel_loop3A_410 = tpu.vector_load %arg4[%parallel_loop3A_408, %parallel_loop3A_409] {strides = array<i32>} : memref<20x512xf32, #tpu.memory_space<vmem>>, vector<16xf32>,
      %parallel_loop3A_411 = arith.maximumf %parallel_loop3A_410, %broadcast_in_dim3A_3 : vector<16xf32>
      %parallel_loop3A_412 = arith.minimumf %parallel_loop3A_411, %broadcast_in_dim3A_5 : vector<16xf32>
      %parallel_loop3A_413 = arith.constant 72 : i32
      %parallel_loop3A_414 = arith.index_cast %parallel_loop3A_413 : i32 to index
      %parallel_loop3A_415 = arith.index_cast %parallel_loop3A_10 : i32 to index
      %parallel_loop3A_416 = tpu.vector_load %arg5[%parallel_loop3A_414, %parallel_loop3A_415] {strides = array<i32>} : memref<80x512xf32, #tpu.memory_space<vmem>>, vector<16xf32>,
      tpu.vector_store %arg5[%parallel_loop3A_414, %parallel_loop3A_415], %parallel_loop3A_412 {strides = array<i32>} : memref<80x512xf32, #tpu.memory_space<vmem>>, vector<16xf32>,
      %parallel_loop3A_417 = arith.constant 73 : i32
      %parallel_loop3A_418 = arith.index_cast %parallel_loop3A_417 : i32 to index
      %parallel_loop3A_419 = arith.index_cast %parallel_loop3A_10 : i32 to index
      %parallel_loop3A_420 = tpu.vector_load %arg5[%parallel_loop3A_418, %parallel_loop3A_419] {strides = array<i32>} : memref<80x512xf32, #tpu.memory_space<vmem>>, vector<16xf32>,
      tpu.vector_store %arg5[%parallel_loop3A_418, %parallel_loop3A_419], %parallel_loop3A_412 {strides = array<i32>} : memref<80x512xf32, #tpu.memory_space<vmem>>, vector<16xf32>,
      %parallel_loop3A_421 = arith.constant 74 : i32
      %parallel_loop3A_422 = arith.index_cast %parallel_loop3A_421 : i32 to index
      %parallel_loop3A_423 = arith.index_cast %parallel_loop3A_10 : i32 to index
      %parallel_loop3A_424 = tpu.vector_load %arg5[%parallel_loop3A_422, %parallel_loop3A_423] {strides = array<i32>} : memref<80x512xf32, #tpu.memory_space<vmem>>, vector<16xf32>,
      tpu.vector_store %arg5[%parallel_loop3A_422, %parallel_loop3A_423], %parallel_loop3A_412 {strides = array<i32>} : memref<80x512xf32, #tpu.memory_space<vmem>>, vector<16xf32>,
      %parallel_loop3A_425 = arith.constant 75 : i32
      %parallel_loop3A_426 = arith.index_cast %parallel_loop3A_425 : i32 to index
      %parallel_loop3A_427 = arith.index_cast %parallel_loop3A_10 : i32 to index
      %parallel_loop3A_428 = tpu.vector_load %arg5[%parallel_loop3A_426, %parallel_loop3A_427] {strides = array<i32>} : memref<80x512xf32, #tpu.memory_space<vmem>>, vector<16xf32>,
      tpu.vector_store %arg5[%parallel_loop3A_426, %parallel_loop3A_427], %parallel_loop3A_412 {strides = array<i32>} : memref<80x512xf32, #tpu.memory_space<vmem>>, vector<16xf32>,
      %parallel_loop3A_429 = arith.constant 19 : i32
      %parallel_loop3A_430 = arith.index_cast %parallel_loop3A_429 : i32 to index
      %parallel_loop3A_431 = arith.index_cast %parallel_loop3A_10 : i32 to index
      %parallel_loop3A_432 = tpu.vector_load %arg4[%parallel_loop3A_430, %parallel_loop3A_431] {strides = array<i32>} : memref<20x512xf32, #tpu.memory_space<vmem>>, vector<16xf32>,
      %parallel_loop3A_433 = arith.maximumf %parallel_loop3A_432, %broadcast_in_dim3A_3 : vector<16xf32>
      %parallel_loop3A_434 = arith.minimumf %parallel_loop3A_433, %broadcast_in_dim3A_5 : vector<16xf32>
      %parallel_loop3A_435 = arith.constant 76 : i32
      %parallel_loop3A_436 = arith.index_cast %parallel_loop3A_435 : i32 to index
      %parallel_loop3A_437 = arith.index_cast %parallel_loop3A_10 : i32 to index
      %parallel_loop3A_438 = tpu.vector_load %arg5[%parallel_loop3A_436, %parallel_loop3A_437] {strides = array<i32>} : memref<80x512xf32, #tpu.memory_space<vmem>>, vector<16xf32>,
      tpu.vector_store %arg5[%parallel_loop3A_436, %parallel_loop3A_437], %parallel_loop3A_434 {strides = array<i32>} : memref<80x512xf32, #tpu.memory_space<vmem>>, vector<16xf32>,
      %parallel_loop3A_439 = arith.constant 77 : i32
      %parallel_loop3A_440 = arith.index_cast %parallel_loop3A_439 : i32 to index
      %parallel_loop3A_441 = arith.index_cast %parallel_loop3A_10 : i32 to index
      %parallel_loop3A_442 = tpu.vector_load %arg5[%parallel_loop3A_440, %parallel_loop3A_441] {strides = array<i32>} : memref<80x512xf32, #tpu.memory_space<vmem>>, vector<16xf32>,
      tpu.vector_store %arg5[%parallel_loop3A_440, %parallel_loop3A_441], %parallel_loop3A_434 {strides = array<i32>} : memref<80x512xf32, #tpu.memory_space<vmem>>, vector<16xf32>,
      %parallel_loop3A_443 = arith.constant 78 : i32
      %parallel_loop3A_444 = arith.index_cast %parallel_loop3A_443 : i32 to index
      %parallel_loop3A_445 = arith.index_cast %parallel_loop3A_10 : i32 to index
      %parallel_loop3A_446 = tpu.vector_load %arg5[%parallel_loop3A_444, %parallel_loop3A_445] {strides = array<i32>} : memref<80x512xf32, #tpu.memory_space<vmem>>, vector<16xf32>,
      tpu.vector_store %arg5[%parallel_loop3A_444, %parallel_loop3A_445], %parallel_loop3A_434 {strides = array<i32>} : memref<80x512xf32, #tpu.memory_space<vmem>>, vector<16xf32>,
      %parallel_loop3A_447 = arith.constant 79 : i32
      %parallel_loop3A_448 = arith.index_cast %parallel_loop3A_447 : i32 to index
      %parallel_loop3A_449 = arith.index_cast %parallel_loop3A_10 : i32 to index
      %parallel_loop3A_450 = tpu.vector_load %arg5[%parallel_loop3A_448, %parallel_loop3A_449] {strides = array<i32>} : memref<80x512xf32, #tpu.memory_space<vmem>>, vector<16xf32>,
      tpu.vector_store %arg5[%parallel_loop3A_448, %parallel_loop3A_449], %parallel_loop3A_434 {strides = array<i32>} : memref<80x512xf32, #tpu.memory_space<vmem>>, vector<16xf32>,
    } {sc.loop_unroll_factor = 4 : i64, sc.parallel_access}
    "tpu.region"() ({
      %run_scoped3A = tpu.sem_alloc : memref<!tpu.dma_semaphore, #tpu.memory_space<semaphore_mem>>
      %dma_start3A = arith.constant 0 : i32
      %dma_start3A_8 = tpu.memref_slice %arg3[%dma_start3A, %mul3A_2] : memref<80x16384xf32, #tpu.memory_space<hbm>> -> memref<80x512xf32, #tpu.memory_space<hbm>>
      %dma_start3A_9 = arith.constant 0 : i32
      %dma_start3A_10 = tpu.memref_slice %arg3[%dma_start3A_9, %mul3A_2] : memref<80x16384xf32, #tpu.memory_space<hbm>> -> memref<80x512xf32, #tpu.memory_space<hbm>>
      tpu.enqueue_dma source(%arg5 : memref<80x512xf32, #tpu.memory_space<vmem>>) target(%dma_start3A_10 : memref<80x512xf32, #tpu.memory_space<hbm>>) target_semaphore(%run_scoped3A : memref<!tpu.dma_semaphore, #tpu.memory_space<semaphore_mem>>)
      %dma_wait3A = arith.constant 0 : i32
      %dma_wait3A_11 = tpu.memref_slice %arg3[%dma_wait3A, %mul3A_2] : memref<80x16384xf32, #tpu.memory_space<hbm>> -> memref<80x512xf32, #tpu.memory_space<hbm>>
      %dma_wait3A_12 = arith.constant 0 : i32
      %dma_wait3A_13 = tpu.memref_slice %arg3[%dma_wait3A_12, %mul3A_2] : memref<80x16384xf32, #tpu.memory_space<hbm>> -> memref<80x512xf32, #tpu.memory_space<hbm>>
      tpu.wait_dma2 semaphore(%run_scoped3A : memref<!tpu.dma_semaphore, #tpu.memory_space<semaphore_mem>>) src(%arg5 : memref<80x512xf32, #tpu.memory_space<vmem>>) dst(%dma_wait3A_13 : memref<80x512xf32, #tpu.memory_space<hbm>>)
      tpu.yield
    }) : () -> ()
    return
  }
}

</mosaic_0001>

<sc_bundles>
// kernel: _sc_expand.3.cloned.1.call-start
scs
__scs_entry_jumppad:
0x0: {  	(pc) =	sbr.rel $0x88, $3  }
0x1: {  	(tag) =	ssettag $0x0;
	lr =	simm.s32 $0x1  }
0x2: {  	[smem:$0x3FA0] =	sst lr;
	_ =	strace $0xD0000000  }
0x3: {  	_ = 	snop  }
0x4: {  	_ = 	snop  }
0x5: {  	_ = 	snop  }
0x6: {  	_ = 	snop  }
0x7: {  	_ = 	snop  }
__scs_overlays_trampoline_lowered:
0x8: {  	[smem:$0x3FAF] =	sst s0  }
0x9: {  	[smem:$0x3FB0] =	sst s1  }
0xa: {  	[smem:$0x3FB1] =	sst s2  }
0xb: {  	[smem:$0x3FB2] =	sst s3  }
0xc: {  	[smem:$0x3FB3] =	sst s4  }
0xd: {  	[smem:$0x3FB4] =	sst s5  }
0xe: {  	[smem:$0x3FB5] =	sst s6  }
0xf: {  	[smem:$0x3FB6] =	sst s7  }
0x10: {  	[smem:$0x3FB7] =	sst s8  }
0x11: {  	[smem:$0x3FB8] =	sst s9;
	s0 =	simm.s32 @!p0 $0x0  }
0x12: {  	s1 =	sld [smem:$0x3F9E];
	s0 =	simm.s32 @p0 $0x1  }
0x13: {  	[smem:$0x3FB9] =	sst s0;
	s0 =	simm.s32 @!p1 $0x0  }
0x14: {  	s2 =	sld [smem:$0x3F9D];
	s0 =	simm.s32 @p1 $0x1  }
0x15: {  	[smem:$0x3FBA] =	sst s0;
	s0 =	simm.s32 @!p2 $0x0  }
0x16: {  	s3 =	sld [smem:$0x3FDB];
	s0 =	simm.s32 @p2 $0x1  }
0x17: {  	s4 =	simm.s32 $0x1BF5;
	[smem:$0x3FBC] =	sst s0  }
0x18: {  	s0 =	sld [smem:$0x3F9F];
	_ =	swait.ge [sflag:s4], $0x0  }
0x19: {  	s7 =	sld [smem:$0x3FA0]  }
0x1a: {  	s8 =	sadd.s32 $0xFFFFE003, lr  }
0x1b: {  	s9 =	sadd.s32 $0xFFFFFEF7, lr;
	s5 =	simm.s32 $0xFFFFFFFF;
	p2 =	slt.u32 s8, $0xFFFFF086  }
0x1c: {  	p1 =	slt.u32 s9, $0xF7A;
	s5 =	simm.s32 @!p2 $0x0  }
0x1d: {  	s5 =	simm.s32 @p1 $0x1;
	p0 =	seq.s32 s7, s2  }
0x1e: {  	s7 =	smul.u32 @!p0 $0xF7A, s2;
	p2 =	seq.s32 @!p0 s5, $0x0  }
0x1f: {  	s9 =	smul.u32 $0xF7A, s1;
	s8 =	simm.s32 @!p0 $0x1BF5;
	p2 =	por !p2, p0  }
0x20: {  	[sflag:s8] =	ssyncset.s32 @!p0 $0xFFFFF086;
	s6 =	sadd.s32 @!p0 s3, s7;
	s7 =	simm.s32 @!p0 $0x108  }
0x21: {  	s3 =	sadd.s32 s3, s9;
	s6 =	sadd.s32 @!p0 $0x88, s6;
	s7 =	simm.s32 @p2 $0x1082  }
0x22: {  	[simem:s7], [sflag:s8] =	dma.local @!p0 [hbm:s6], $0xF7A  }
0x23: {  	s9 =	sor.u32 $0xD0000000, s2;
	s6 =	simm.s32 $0x108;
	_ =	swait.ge @!p0 [sflag:s8], $0x0  }
0x24: {  	s3 =	sadd.s32 $0x88, s3;
	s6 =	simm.s32 @!p1 $0x1082;
	[sflag:s4] =	ssyncset.s32 $0xFFFFF086  }
0x25: {  	[simem:s6], [sflag:s4] =	dma.local [hbm:s3], $0xF7A  }
0x26: {  	[smem:$0x3FA0] =	sst s1;
	(tag) =	ssettag s2;
	_ =	strace s9  }
0x27: {  	s1 =	sld [smem:$0x3FB0]  }
0x28: {  	s2 =	sld [smem:$0x3FB1]  }
0x29: {  	s4 =	sld [smem:$0x3FB3]  }
0x2a: {  	p0 =	seq.s32 s5, $0x0;
	s5 =	sld [smem:$0x3FB4]  }
0x2b: {  	s6 =	sld [smem:$0x3FB5]  }
0x2c: {  	s7 =	sld [smem:$0x3FB6]  }
0x2d: {  	s3 =	simm.s32 $0x108;
	s8 =	sld [smem:$0x3FB7]  }
0x2e: {  	s3 =	simm.s32 @!p0 $0x1082;
	s9 =	sld [smem:$0x3FB8]  }
0x2f: {  	lr =	sadd.s32 s0, s3;
	s0 =	sld [smem:$0x3FAF]  }
0x30: {  	s3 =	sld [smem:$0x3FB2]  }
0x31: {  	[smem:$0x3FBB] =	sst s10  }
0x32: {  	s10 =	sld [smem:$0x3FB9];
	_ =	sdelay $0x3  }
0x33: {  	p0 =	seq.s32 s10, $0x1;
	s10 =	sld [smem:$0x3FBB];
	_ =	sdelay $0x3  }
0x34: {  	[smem:$0x3FBB] =	sst s10  }
0x35: {  	s10 =	sld [smem:$0x3FBA];
	_ =	sdelay $0x3  }
0x36: {  	p1 =	seq.s32 s10, $0x1;
	s10 =	sld [smem:$0x3FBB];
	_ =	sdelay $0x3  }
0x37: {  	[smem:$0x3FBB] =	sst s10  }
0x38: {  	s10 =	sld [smem:$0x3FBC]  }
0x39: {  	_ = 	snop;
	(pc) =	sbr.ind lr, $3  }
0x3a: {  	_ = 	snop  }
0x3b: {  	_ = 	snop  }
0x3c: {  	p2 =	seq.s32 s10, $0x1;
	s10 =	sld [smem:$0x3FBB]  }
0x3d: {  	_ =	shalt  }
0x3e: {  	_ =	shalt  }
0x3f: {  	_ =	shalt  }
0x40: {  	_ =	shalt  }
0x41: {  	_ =	shalt  }
0x42: {  	_ =	shalt  }
0x43: {  	_ =	shalt  }
0x44: {  	_ =	shalt  }
0x45: {  	_ =	shalt  }
0x46: {  	_ =	shalt  }
0x47: {  	_ =	shalt  }
0x48: {  	_ =	shalt  }
0x49: {  	_ =	shalt  }
0x4a: {  	_ =	shalt  }
0x4b: {  	_ =	shalt  }
0x4c: {  	_ =	shalt  }
0x4d: {  	_ =	shalt  }
0x4e: {  	_ =	shalt  }
0x4f: {  	_ =	shalt  }
0x50: {  	_ =	shalt  }
0x51: {  	_ =	shalt  }
0x52: {  	_ =	shalt  }
0x53: {  	_ =	shalt  }
0x54: {  	_ =	shalt  }
0x55: {  	_ =	shalt  }
0x56: {  	_ =	shalt  }
0x57: {  	_ =	shalt  }
0x58: {  	_ =	shalt  }
0x59: {  	_ =	shalt  }
0x5a: {  	_ =	shalt  }
0x5b: {  	_ =	shalt  }
0x5c: {  	_ =	shalt  }
0x5d: {  	_ =	shalt  }
0x5e: {  	_ =	shalt  }
0x5f: {  	_ =	shalt  }
0x60: {  	_ =	shalt  }
0x61: {  	_ =	shalt  }
0x62: {  	_ =	shalt  }
0x63: {  	_ =	shalt  }
0x64: {  	_ =	shalt  }
0x65: {  	_ =	shalt  }
0x66: {  	_ =	shalt  }
0x67: {  	_ =	shalt  }
0x68: {  	_ =	shalt  }
0x69: {  	_ =	shalt  }
0x6a: {  	_ =	shalt  }
0x6b: {  	_ =	shalt  }
0x6c: {  	_ =	shalt  }
0x6d: {  	_ =	shalt  }
0x6e: {  	_ =	shalt  }
0x6f: {  	_ =	shalt  }
0x70: {  	_ =	shalt  }
0x71: {  	_ =	shalt  }
0x72: {  	_ =	shalt  }
0x73: {  	_ =	shalt  }
0x74: {  	_ =	shalt  }
0x75: {  	_ =	shalt  }
0x76: {  	_ =	shalt  }
0x77: {  	_ =	shalt  }
0x78: {  	_ =	shalt  }
0x79: {  	_ =	shalt  }
0x7a: {  	_ =	shalt  }
0x7b: {  	_ =	shalt  }
0x7c: {  	_ =	shalt  }
0x7d: {  	_ =	shalt  }
0x7e: {  	_ =	shalt  }
0x7f: {  	_ =	shalt  }
0x80: {  	_ =	shalt  }
0x81: {  	_ =	shalt  }
0x82: {  	_ =	shalt  }
0x83: {  	_ =	shalt  }
0x84: {  	_ =	shalt  }
0x85: {  	_ =	shalt  }
0x86: {  	_ =	shalt  }
0x87: {  	_ =	shalt  }
.Lfunc_end0:
.L_simem_size_0:
called_computation_lowered:
.L_overlay_start_0:
0x88: {  	s2 =	sld [smem:$0x3FD9]  }
0x89: {  	s3 =	sld [smem:$0x3FFE];
	_ =	sdelay $0x1  }
0x8a: {  	s1 =	srdreg.scid  }
0x8b: {  	s0 =	sand.u32 $0x1, s1  }
0x8c: {  	s18 =	sshll.u32 s0, $0xA;
	s2 =	sadd.s32 s3, s2  }
0x8d: {  	s2 =	sadd.s32 s2, s18  }
0x8e: {  	[smem:$0x3FC7] =	sst s2  }
0x8f: {  	_ = 	snop  }
0x90: {  	s2 =	sld [smem:$0x3FC9]  }
0x91: {  	s19 =	sld [smem:$0x3FD0];
	(tm) =	ssettm $0x1  }
0x92: {  	s4 =	sld [smem:$0x3FFB];
	_ =	sdelay $0x3  }
0x93: {  	_ =	strace s4  }
0x94: {  	s4 =	sld [smem:$0x3FFC];
	_ =	sdelay $0x3  }
0x95: {  	_ =	strace s4  }
0x96: {  	s4 =	sld [smem:$0x3FFD];
	_ =	sdelay $0x3  }
0x97: {  	_ =	strace s4  }
0x98: {  	_ =	strace $0x8FFFFFFF  }
0x99: {  	s20 =	sld [smem:$0x3FDB];
	_ =	sdelay $0x1  }
0x9a: {  	s5 =	simm.s32 $_scs_section_size  }
0x9b: {  	s6 =	simm.s32 $_size__tile_overlayer_lowered;
	s7 =	simm.s32 $_tile_overlayer_lowered  }
0x9c: {  	s23 =	simm.s32 $0x1BFF;
	s22 =	sshll.u32 s7, $0x1;
	s4 =	sadd.s32 s5, s20  }
0x9d: {  	s8 =	simm.s32 $0x0;
	s21 =	sshll.u32 s6, $0x1;
	s6 =	sadd.s32 s22, s4  }
0x9e: {  	[timem:s8], [sflag:s23] =	dma.local [hbm:s6], s21  }
0x9f: {  	_ =	swait.ge [sflag:s23], s21  }
0xa0: {  	s5 =	ssub.s32 $0x0, s21;
	[sflag:s23] =	ssyncset.done $0x0  }
0xa1: {  	[sflag:s23] =	ssyncadd.s32 s5;
	_ =	sdelay $0x1  }
0xa2: {  	s24 =	simm.s32 $0x1B8B  }
0xa3: {  	_ =	swait.ge [sflag:s24], $0x1  }
0xa4: {  	[sflag:s24] =	ssyncset.done $0x0  }
0xa5: {  	s25 =	simm.s32 $0x1B8E;
	[sflag:s24] =	ssyncadd.s32 $0xFFFFFFFF  }
0xa6: {  	s26 =	simm.s32 $execute0_lowered;
	[smem:$0x3FD2] =	sst s25  }
0xa7: {  	s5 =	sshll.u32 s26, $0x1;
	_ =	strace $0x80000046;
	[dreg:$0x1] =	wrdreg $0xFFFFFFFF  }
0xa8: {  	s28 =	simm.s32 $_size_execute0_lowered;
	s4 =	sadd.s32 s4, s5;
	[dreg:$0x0] =	wrdreg $0x0  }
0xa9: {  	s5 =	sshll.u32 s28, $0x1;
	[dreg:$0x2] =	wrdreg s4  }
0xaa: {  	[dreg:$0x3] =	wrdreg s5  }
0xab: {  	[dreg:$0x4] =	wrdreg $0xC0  }
0xac: {  	_ =	task [dreg:s8], $0x5FFFF  }
0xad: {  	[dreg:$0x1] =	wrdreg $0xFFFFFFFF  }
0xae: {  	[dreg:$0x0] =	wrdreg $0x60  }
0xaf: {  	[dreg:$0x2] =	wrdreg s2  }
0xb0: {  	[dreg:$0x3] =	wrdreg s19  }
0xb1: {  	[dreg:$0x4] =	wrdreg $0x9  }
0xb2: {  	_ =	task.clear_ibuf [dreg:s8], $0x5FFFF;
	_ =	strace $0x90000046  }
0xb3: {  	s29 =	simm.s32 $0x9;
	_ =	strace $0x80000048  }
0xb4: {  	_ =	swait.ge [sflag:s29], $0x1  }
0xb5: {  	[sflag:s29] =	ssyncadd.s32 $0xFFFFFFFF  }
0xb6: {  	_ =	strace $0x90000048  }
0xb7: {  	_ =	sfence  }
0xb8: {  	s30 =	sld [smem:$0x0];
	_ =	sdelay $0x2  }
0xb9: {  	s31 =	sshll.u32 s1, $0xD;
	s1 =	sshrl.u32 s1, $0x2  }
0xba: {  	s3 =	sand.u32 $0x4000, s31;
	s1 =	sadd.s32 s1, s30  }
0xbb: {  	s0 =	sor.u32 s3, s0;
	s1 =	sshll.u32 s1, $0x11  }
0xbc: {  	s0 =	sor.u32 s1, s0  }
0xbd: {  	s0 =	sadd.s32 $0x8F2B, s0  }
0xbe: {  	[sflag:s0] =	ssyncadd.remote.s32 $0x1  }
0xbf: {  	_ =	sfence.sel $0xFFFF  }
0xc0: {  	[dreg:$0x0] =	wrdreg $0xFFFFFFFF;
	(pc) =	sbr.abs _section_cstart, $3  }
0xc1: {  	[dreg:$0x1] =	wrdreg $0xFFFFFFFF  }
0xc2: {  	_ =	task.clear_ibuf [dreg:s8], $0x2FFFF;
	_ =	strace $0x9FFFFFFF  }
0xc3: {  	(tm) =	ssettm $0x7FFFFFFF  }
tec
execute0_lowered:
.L_overlay_start_1:
0x0: {  	(tag) =	ssettag $0x1  }
0x1: {  	s0 =	rddreg [dreg:$0x0];
	s3 =	simm.s32 $0x0;
	s2 =	srdreg.scid  }
0x2: {  	s4 =	stileid.u32;
	[smem:$0x7FF] =	sst s3;
	s2 =	sand.u32 $0x1, s2  }
0x3: {  	s4 =	sshll.u32 s4, $0xA;
	s29 =	ssub.s32 $0x2, s2;
	s2 =	sshll.u32 s2, $0x9  }
0x4: {  	s1 =	rddreg [dreg:$0x1];
	_ =	strace $0x80000047;
	s2 =	sor.u32 s2, s4  }
0x5: {  	s5 =	sshrl.u32 s29, $0x1;
	s4 =	simm.s32 $0x1;
	s0 =	sadd.s32 s0, s2  }
0x6: {  	s3 =	ssub.s32 s29, s5;
	s30 =	sadd.s32 s1, s2;
	[smem:$0x7FB] =	sst s0  }
0x7: {  	s1 =	simm.s32 $0x1000;
	[smem:$0x7FC] =	sst s30;
	s31 =	smax.u32 s3, $0x1  }
0x8: {  	s2 =	simm.s32 $0x20000;
	s3 =	simm.s32 $0x0;
	[smem:$0x7FD] =	sst s31  }
.LBB2_1:
0x9: {  	s0 =	sld [smem:$0x7FB];
	_ =	sdelay $0x1  }
0xa: {  	[smem:$0x7CF] =	sst s3;
	s7 =	simm.s32 $0x0  }
0xb: {  	[tilespmem:s7], [sflag:$0x1] =	stream.strided.gather [hbm4b:s0+s1], $0x3000, s2, s1, $0x38;
	[tilespmem:$0xD000] =	vst v63  }
0xc: {  	_ =	swait.ge [sflag:s4], $0x3000  }
0xd: {  	s3 =	sand.u32 $0x40, s7;
	s12 =	sand.u32 $0xC00, s7;
	[sflag:s4] =	ssyncset.done $0x0  }
0xe: {  	s15 =	sor.u32 s3, s12;
	[sflag:s4] =	ssyncadd.s32 $0xFFFFD000  }
0xf: {  	v0 =	vld [tilespmem:s15+$0x0];
	_ =	sdelay $0x4  }
0x10: {  	v0 =	vmax.f32 v0, $-1.000000000e+00  }
0x11: {  	v0 =	vmin.f32 v0, $1.000000000e+00  }
0x12: {  	s26 =	sand.u32 $0xFFFFFC00, s7;
	[tilespmem:s15+$0x3000] =	vst v0  }
0x13: {  	s28 =	sadd.s32 $0x0, s26;
	[tilespmem:s15+$0x3080] =	vst v0  }
0x14: {  	s0 =	sor.u32 $0x180, s28;
	[tilespmem:s15+$0x3100] =	vst v0  }
0x15: {  	[tilespmem:s0+$0x3000] =	vst v0  }
0x16: {  	v0 =	vld [tilespmem:s15+$0x80];
	_ =	sdelay $0x1  }
0x17: {  	p0 =	por $0x0, $0x0;
	s1 =	simm.s32 $0x1  }
0x18: {  	s1 =	simm.s32 @!p0 $0x0  }
0x19: {  	s1 =	sshll.u32 s1, $0x6  }
0x1a: {  	s13 =	sadd.s32 $0x0, s1;
	v0 =	vmax.f32 v0, $-1.000000000e+00  }
0x1b: {  	s1 =	sor.u32 $0x200, s13;
	v0 =	vmin.f32 v0, $1.000000000e+00  }
0x1c: {  	s5 =	sor.u32 $0x280, s13;
	[tilespmem:s1+$0x3000] =	vst v0  }
0x1d: {  	s6 =	sor.u32 $0x300, s13;
	[tilespmem:s5+$0x3000] =	vst v0  }
0x1e: {  	s2 =	sor.u32 $0x380, s7;
	[tilespmem:s6+$0x3000] =	vst v0  }
0x1f: {  	[tilespmem:s2+$0x3000] =	vst v0  }
0x20: {  	v0 =	vld [tilespmem:s15+$0x100];
	_ =	sdelay $0x4  }
0x21: {  	v0 =	vmax.f32 v0, $-1.000000000e+00  }
0x22: {  	v0 =	vmin.f32 v0, $1.000000000e+00  }
0x23: {  	[tilespmem:s15+$0x4000] =	vst v0  }
0x24: {  	[tilespmem:s15+$0x4080] =	vst v0  }
0x25: {  	s8 =	sor.u32 $0x1180, s28;
	[tilespmem:s15+$0x4100] =	vst v0  }
0x26: {  	[smem:$0x7D1] =	sst s8  }
0x27: {  	[tilespmem:s8+$0x3000] =	vst v0  }
0x28: {  	v0 =	vld [tilespmem:s0+$0x0];
	_ =	sdelay $0x4  }
0x29: {  	s30 =	sor.u32 $0x1200, s13;
	v0 =	vmax.f32 v0, $-1.000000000e+00  }
0x2a: {  	[smem:$0x7D2] =	sst s30;
	v0 =	vmin.f32 v0, $1.000000000e+00  }
0x2b: {  	s8 =	sor.u32 $0x1280, s13;
	[tilespmem:s30+$0x3000] =	vst v0  }
0x2c: {  	[smem:$0x7D4] =	sst s8  }
0x2d: {  	s9 =	sor.u32 $0x1300, s13;
	[tilespmem:s8+$0x3000] =	vst v0  }
0x2e: {  	[smem:$0x7D6] =	sst s9  }
0x2f: {  	s10 =	sor.u32 $0x1380, s7;
	[tilespmem:s9+$0x3000] =	vst v0  }
0x30: {  	[smem:$0x7DA] =	sst s10  }
0x31: {  	[tilespmem:s10+$0x3000] =	vst v0  }
0x32: {  	v0 =	vld [tilespmem:s1+$0x0];
	_ =	sdelay $0x3  }
0x33: {  	s0 =	sor.u32 $0x10, s3  }
0x34: {  	s8 =	sor.u32 s12, s0;
	v0 =	vmax.f32 v0, $-1.000000000e+00  }
0x35: {  	v1 =	vld [tilespmem:s8+$0x0];
	v0 =	vmin.f32 v0, $1.000000000e+00  }
0x36: {  	[tilespmem:s15+$0x5000] =	vst v0  }
0x37: {  	[tilespmem:s15+$0x5080] =	vst v0  }
0x38: {  	s11 =	sor.u32 $0x2180, s28;
	[tilespmem:s15+$0x5100] =	vst v0  }
0x39: {  	[smem:$0x7DC] =	sst s11  }
0x3a: {  	v1 =	vmax.f32 v1, $-1.000000000e+00;
	[tilespmem:s11+$0x3000] =	vst v0;
	v2 =	vld [tilespmem:s8+$0x80]  }
0x3b: {  	v1 =	vmin.f32 v1, $1.000000000e+00;
	v0 =	vld [tilespmem:s5+$0x0]  }
0x3c: {  	[tilespmem:s8+$0x3000] =	vst v1  }
0x3d: {  	[tilespmem:s8+$0x3080] =	vst v1  }
0x3e: {  	[tilespmem:s8+$0x3100] =	vst v1  }
0x3f: {  	s20 =	sadd.s32 $0x10, s13;
	[tilespmem:s8+$0x3180] =	vst v1;
	v1 =	vmax.f32 v2, $-1.000000000e+00  }
0x40: {  	s17 =	sor.u32 $0x5200, s12;
	s11 =	sor.u32 $0x200, s20;
	v0 =	vmax.f32 v0, $-1.000000000e+00;
	v1 =	vmin.f32 v1, $1.000000000e+00  }
0x41: {  	s19 =	sor.u32 $0x5280, s12;
	s14 =	sor.u32 s3, s17;
	v0 =	vmin.f32 v0, $1.000000000e+00;
	[tilespmem:s11+$0x3000] =	vst v1  }
0x42: {  	s16 =	sor.u32 s3, s19;
	s5 =	sor.u32 $0x5300, s12;
	[tilespmem:s14+$0x0] =	vst v0  }
0x43: {  	s9 =	sor.u32 $0x5380, s12;
	s18 =	sor.u32 s3, s5;
	[tilespmem:s16+$0x0] =	vst v0  }
0x44: {  	s21 =	sor.u32 s3, s9;
	[tilespmem:s18+$0x0] =	vst v0  }
0x45: {  	s22 =	sor.u32 $0x300, s20;
	[tilespmem:s21+$0x0] =	vst v0  }
0x46: {  	s4 =	sor.u32 $0x280, s20;
	v0 =	vld [tilespmem:s6+$0x0];
	[smem:$0x7D0] =	sst s22  }
0x47: {  	s23 =	sor.u32 $0x380, s20;
	[tilespmem:s4+$0x3000] =	vst v1  }
0x48: {  	[smem:$0x7D3] =	sst s23  }
0x49: {  	[tilespmem:s22+$0x3000] =	vst v1  }
0x4a: {  	[tilespmem:s23+$0x3000] =	vst v1  }
0x4b: {  	v1 =	vld [tilespmem:s8+$0x100]  }
0x4c: {  	s14 =	sor.u32 $0x6000, s12;
	v0 =	vmax.f32 v0, $-1.000000000e+00  }
0x4d: {  	s24 =	sor.u32 s3, s14;
	s16 =	sor.u32 $0x6080, s12;
	v0 =	vmin.f32 v0, $1.000000000e+00  }
0x4e: {  	s25 =	sor.u32 s3, s16;
	s21 =	sor.u32 $0x6100, s12;
	[tilespmem:s24+$0x0] =	vst v0  }
0x4f: {  	s10 =	sor.u32 $0x6180, s12;
	s26 =	sor.u32 s3, s21;
	[tilespmem:s25+$0x0] =	vst v0  }
0x50: {  	s28 =	sor.u32 s3, s10;
	v2 =	vld [tilespmem:s8+$0x180];
	[tilespmem:s26+$0x0] =	vst v0;
	v1 =	vmax.f32 v1, $-1.000000000e+00  }
0x51: {  	[tilespmem:s28+$0x0] =	vst v0;
	v0 =	vmin.f32 v1, $1.000000000e+00  }
0x52: {  	[tilespmem:s8+$0x4000] =	vst v0  }
0x53: {  	[tilespmem:s8+$0x4080] =	vst v0  }
0x54: {  	[tilespmem:s8+$0x4100] =	vst v0  }
0x55: {  	s30 =	sor.u32 $0x1200, s20;
	v1 =	vmax.f32 v2, $-1.000000000e+00;
	[tilespmem:s8+$0x4180] =	vst v0  }
0x56: {  	v1 =	vmin.f32 v1, $1.000000000e+00;
	[smem:$0x7E1] =	sst s30  }
0x57: {  	v0 =	vld [tilespmem:s2+$0x0];
	[tilespmem:s30+$0x3000] =	vst v1;
	s2 =	sor.u32 $0x1280, s20  }
0x58: {  	[smem:$0x7E8] =	sst s2  }
0x59: {  	s6 =	sor.u32 $0x1300, s20;
	[tilespmem:s2+$0x3000] =	vst v1  }
0x5a: {  	s7 =	sor.u32 $0x1380, s20;
	[smem:$0x7EF] =	sst s6  }
0x5b: {  	[smem:$0x7F5] =	sst s7  }
0x5c: {  	[tilespmem:s6+$0x3000] =	vst v1  }
0x5d: {  	[tilespmem:s7+$0x3000] =	vst v1  }
0x5e: {  	s29 =	sor.u32 $0x6200, s12;
	v0 =	vmax.f32 v0, $-1.000000000e+00;
	v1 =	vld [tilespmem:s11+$0x0]  }
0x5f: {  	s24 =	sor.u32 $0x6280, s12;
	v0 =	vmin.f32 v0, $1.000000000e+00;
	s11 =	sor.u32 s3, s29  }
0x60: {  	s23 =	sor.u32 $0x6300, s12;
	s18 =	sor.u32 s3, s24;
	[tilespmem:s11+$0x0] =	vst v0  }
0x61: {  	s22 =	sor.u32 $0x6380, s12;
	s20 =	sor.u32 s3, s23;
	[tilespmem:s18+$0x0] =	vst v0  }
0x62: {  	s25 =	sor.u32 s3, s22;
	[tilespmem:s20+$0x0] =	vst v0  }
0x63: {  	[tilespmem:s25+$0x0] =	vst v0;
	v1 =	vmax.f32 v1, $-1.000000000e+00  }
0x64: {  	v0 =	vmin.f32 v1, $1.000000000e+00;
	v1 =	vld [tilespmem:s15+$0x1000]  }
0x65: {  	[tilespmem:s8+$0x5000] =	vst v0  }
0x66: {  	[tilespmem:s8+$0x5080] =	vst v0  }
0x67: {  	[tilespmem:s8+$0x5100] =	vst v0  }
0x68: {  	s26 =	sor.u32 $0x7000, s12;
	s6 =	sor.u32 $0x20, s3;
	[tilespmem:s8+$0x5180] =	vst v0  }
0x69: {  	s30 =	sor.u32 $0x7080, s12;
	s7 =	sor.u32 s12, s6;
	v0 =	vld [tilespmem:s4+$0x0];
	[smem:$0x7D7] =	sst s26;
	v1 =	vmax.f32 v1, $-1.000000000e+00  }
0x6a: {  	s28 =	sor.u32 s3, s26;
	v2 =	vld [tilespmem:s7+$0x0];
	[smem:$0x7D8] =	sst s30;
	v1 =	vmin.f32 v1, $1.000000000e+00  }
0x6b: {  	s11 =	sor.u32 $0x7100, s12;
	[tilespmem:s28+$0x0] =	vst v1  }
0x6c: {  	s4 =	sor.u32 s3, s30;
	[smem:$0x7D9] =	sst s11  }
0x6d: {  	s20 =	sor.u32 $0x7180, s12;
	[tilespmem:s4+$0x0] =	vst v1  }
0x6e: {  	s18 =	sor.u32 s3, s11;
	[smem:$0x7DB] =	sst s20  }
0x6f: {  	s25 =	sor.u32 s3, s20;
	v0 =	vmax.f32 v0, $-1.000000000e+00;
	[tilespmem:s18+$0x0] =	vst v1  }
0x70: {  	s26 =	sor.u32 s0, s17;
	v0 =	vmin.f32 v0, $1.000000000e+00;
	v2 =	vmax.f32 v2, $-1.000000000e+00;
	s11 =	sor.u32 $0x30, s3;
	[tilespmem:s25+$0x0] =	vst v1;
	v1 =	vld [tilespmem:s7+$0x80]  }
0x71: {  	v2 =	vmin.f32 v2, $1.000000000e+00;
	[tilespmem:s26+$0x0] =	vst v0;
	s25 =	sor.u32 s12, s11  }
0x72: {  	[tilespmem:s7+$0x3000] =	vst v2;
	v3 =	vld [tilespmem:s25+$0x0]  }
0x73: {  	[tilespmem:s7+$0x3080] =	vst v2  }
0x74: {  	[tilespmem:s7+$0x3100] =	vst v2  }
0x75: {  	s28 =	sor.u32 s0, s19;
	s20 =	sadd.s32 $0x20, s13;
	[tilespmem:s7+$0x3180] =	vst v2;
	v1 =	vmax.f32 v1, $-1.000000000e+00  }
0x76: {  	[tilespmem:s28+$0x0] =	vst v0;
	s28 =	sor.u32 $0x200, s20;
	v1 =	vmin.f32 v1, $1.000000000e+00  }
0x77: {  	s18 =	sor.u32 $0x280, s20;
	v3 =	vmax.f32 v3, $-1.000000000e+00;
	[tilespmem:s28+$0x3000] =	vst v1  }
0x78: {  	v2 =	vld [tilespmem:s25+$0x80];
	v3 =	vmin.f32 v3, $1.000000000e+00;
	[tilespmem:s18+$0x3000] =	vst v1  }
0x79: {  	[tilespmem:s25+$0x3000] =	vst v3  }
0x7a: {  	s2 =	sor.u32 $0x300, s20;
	[tilespmem:s25+$0x3080] =	vst v3  }
0x7b: {  	s31 =	sor.u32 $0x380, s20;
	[tilespmem:s2+$0x3000] =	vst v1  }
0x7c: {  	[tilespmem:s31+$0x3000] =	vst v1  }
0x7d: {  	s13 =	sadd.s32 $0x30, s13;
	v2 =	vmax.f32 v2, $-1.000000000e+00;
	[tilespmem:s25+$0x3100] =	vst v3;
	v1 =	vld [tilespmem:s7+$0x100]  }
0x7e: {  	s1 =	sor.u32 $0x200, s13;
	v2 =	vmin.f32 v2, $1.000000000e+00;
	[tilespmem:s25+$0x3180] =	vst v3  }
0x7f: {  	s26 =	sor.u32 $0x280, s13;
	[tilespmem:s1+$0x3000] =	vst v2  }
0x80: {  	s4 =	sor.u32 $0x300, s13;
	[tilespmem:s26+$0x3000] =	vst v2  }
0x81: {  	s30 =	sor.u32 $0x380, s13;
	[tilespmem:s4+$0x3000] =	vst v2  }
0x82: {  	v3 =	vld [tilespmem:s7+$0x180];
	[smem:$0x7D5] =	sst s30;
	v1 =	vmax.f32 v1, $-1.000000000e+00  }
0x83: {  	[tilespmem:s30+$0x3000] =	vst v2;
	v1 =	vmin.f32 v1, $1.000000000e+00  }
0x84: {  	[tilespmem:s7+$0x4000] =	vst v1  }
0x85: {  	[tilespmem:s7+$0x4080] =	vst v1  }
0x86: {  	[tilespmem:s7+$0x4100] =	vst v1  }
0x87: {  	s30 =	sor.u32 $0x1200, s20;
	v3 =	vmax.f32 v3, $-1.000000000e+00;
	[tilespmem:s7+$0x4180] =	vst v1  }
0x88: {  	v2 =	vld [tilespmem:s25+$0x100];
	v3 =	vmin.f32 v3, $1.000000000e+00;
	[smem:$0x7E2] =	sst s30  }
0x89: {  	[tilespmem:s30+$0x3000] =	vst v3;
	s30 =	sor.u32 $0x1280, s20  }
0x8a: {  	[smem:$0x7E9] =	sst s30  }
0x8b: {  	[tilespmem:s30+$0x3000] =	vst v3;
	s30 =	sor.u32 $0x1300, s20  }
0x8c: {  	v1 =	vld [tilespmem:s25+$0x180];
	s20 =	sor.u32 $0x1380, s20;
	[smem:$0x7F0] =	sst s30  }
0x8d: {  	v2 =	vmax.f32 v2, $-1.000000000e+00;
	[smem:$0x7F6] =	sst s20  }
0x8e: {  	v2 =	vmin.f32 v2, $1.000000000e+00;
	[tilespmem:s30+$0x3000] =	vst v3  }
0x8f: {  	[tilespmem:s25+$0x4000] =	vst v2  }
0x90: {  	[tilespmem:s25+$0x4080] =	vst v2  }
0x91: {  	[tilespmem:s25+$0x4100] =	vst v2  }
0x92: {  	[tilespmem:s25+$0x4180] =	vst v2  }
0x93: {  	s30 =	sor.u32 $0x1200, s13;
	[tilespmem:s20+$0x3000] =	vst v3;
	v1 =	vmax.f32 v1, $-1.000000000e+00  }
0x94: {  	v3 =	vld [tilespmem:s15+$0x1080];
	[smem:$0x7E5] =	sst s30;
	v1 =	vmin.f32 v1, $1.000000000e+00  }
0x95: {  	v2 =	vld [tilespmem:s28+$0x0];
	s28 =	sor.u32 $0x1280, s13;
	[tilespmem:s30+$0x3000] =	vst v1  }
0x96: {  	[smem:$0x7EC] =	sst s28  }
0x97: {  	s30 =	sor.u32 $0x1300, s13;
	[tilespmem:s28+$0x3000] =	vst v1  }
0x98: {  	s13 =	sor.u32 $0x1380, s13;
	[smem:$0x7F3] =	sst s30  }
0x99: {  	[smem:$0x7F8] =	sst s13  }
0x9a: {  	[tilespmem:s30+$0x3000] =	vst v1  }
0x9b: {  	s28 =	sor.u32 s0, s5;
	v2 =	vmax.f32 v2, $-1.000000000e+00;
	[tilespmem:s13+$0x3000] =	vst v1  }
0x9c: {  	[tilespmem:s28+$0x0] =	vst v0;
	v2 =	vmin.f32 v2, $1.000000000e+00;
	v1 =	vmax.f32 v3, $-1.000000000e+00;
	v3 =	vld [tilespmem:s1+$0x0]  }
0x9d: {  	[tilespmem:s7+$0x5000] =	vst v2  }
0x9e: {  	[tilespmem:s7+$0x5080] =	vst v2  }
0x9f: {  	s20 =	sor.u32 $0x7200, s12;
	[tilespmem:s7+$0x5100] =	vst v2  }
0xa0: {  	s30 =	sor.u32 s3, s20;
	s13 =	sor.u32 $0x7280, s12;
	[tilespmem:s7+$0x5180] =	vst v2;
	v1 =	vmin.f32 v1, $1.000000000e+00  }
0xa1: {  	s28 =	sor.u32 s3, s13;
	[tilespmem:s30+$0x0] =	vst v1;
	v3 =	vmax.f32 v3, $-1.000000000e+00  }
0xa2: {  	[tilespmem:s28+$0x0] =	vst v1;
	v3 =	vmin.f32 v3, $1.000000000e+00  }
0xa3: {  	v2 =	vld [tilespmem:s18+$0x0];
	[tilespmem:s25+$0x5000] =	vst v3  }
0xa4: {  	[tilespmem:s25+$0x5080] =	vst v3  }
0xa5: {  	s28 =	sor.u32 $0x7300, s12;
	[tilespmem:s25+$0x5100] =	vst v3  }
0xa6: {  	s18 =	sor.u32 $0x7380, s12;
	s30 =	sor.u32 s3, s28;
	[tilespmem:s25+$0x5180] =	vst v3  }
0xa7: {  	[tilespmem:s30+$0x0] =	vst v1;
	v3 =	vld [tilespmem:s26+$0x0];
	s26 =	sor.u32 s3, s18  }
0xa8: {  	s30 =	sor.u32 s0, s9;
	[tilespmem:s26+$0x0] =	vst v1;
	v1 =	vmax.f32 v2, $-1.000000000e+00  }
0xa9: {  	[tilespmem:s30+$0x0] =	vst v0;
	s26 =	sor.u32 s6, s17;
	v0 =	vmin.f32 v1, $1.000000000e+00  }
0xaa: {  	s30 =	sor.u32 s6, s19;
	[tilespmem:s26+$0x0] =	vst v0  }
0xab: {  	s26 =	sor.u32 s6, s5;
	[tilespmem:s30+$0x0] =	vst v0  }
0xac: {  	v1 =	vld [tilespmem:s15+$0x1100];
	s30 =	sor.u32 s6, s9;
	[tilespmem:s26+$0x0] =	vst v0;
	v2 =	vmax.f32 v3, $-1.000000000e+00  }
0xad: {  	s17 =	sor.u32 s11, s17;
	[tilespmem:s30+$0x0] =	vst v0;
	v0 =	vmin.f32 v2, $1.000000000e+00  }
0xae: {  	[tilespmem:s17+$0x0] =	vst v0  }
0xaf: {  	s26 =	sld [smem:$0x7D0];
	_ =	sdelay $0x1  }
0xb0: {  	s19 =	sor.u32 s11, s19;
	s30 =	sor.u32 $0x8000, s12;
	v1 =	vmax.f32 v1, $-1.000000000e+00  }
0xb1: {  	[tilespmem:s19+$0x0] =	vst v0;
	v1 =	vmin.f32 v1, $1.000000000e+00;
	s19 =	sor.u32 s3, s30;
	v2 =	vld [tilespmem:s26+$0x0];
	s26 =	sor.u32 $0x8080, s12  }
0xb2: {  	[tilespmem:s19+$0x0] =	vst v1;
	s19 =	sor.u32 $0x8100, s12;
	s17 =	sor.u32 s3, s26  }
0xb3: {  	s1 =	sor.u32 s3, s19;
	[tilespmem:s17+$0x0] =	vst v1;
	s17 =	sor.u32 $0x8180, s12  }
0xb4: {  	[tilespmem:s1+$0x0] =	vst v1;
	s1 =	sor.u32 s3, s17  }
0xb5: {  	[tilespmem:s1+$0x0] =	vst v1  }
0xb6: {  	s1 =	sor.u32 s11, s5;
	s5 =	sld [smem:$0x7D1]  }
0xb7: {  	s9 =	sor.u32 s11, s9;
	v3 =	vld [tilespmem:s2+$0x0];
	[tilespmem:s1+$0x0] =	vst v0;
	v2 =	vmax.f32 v2, $-1.000000000e+00  }
0xb8: {  	s2 =	sor.u32 s0, s14;
	[tilespmem:s9+$0x0] =	vst v0;
	v0 =	vmin.f32 v2, $1.000000000e+00  }
0xb9: {  	[tilespmem:s2+$0x0] =	vst v0;
	v1 =	vld [tilespmem:s5+$0x0];
	s5 =	sor.u32 s0, s16  }
0xba: {  	s9 =	sor.u32 s0, s21;
	[tilespmem:s5+$0x0] =	vst v0  }
0xbb: {  	s2 =	sor.u32 s0, s10;
	[tilespmem:s9+$0x0] =	vst v0  }
0xbc: {  	v2 =	vmax.f32 v3, $-1.000000000e+00;
	s9 =	sor.u32 $0x8200, s12;
	[tilespmem:s2+$0x0] =	vst v0  }
0xbd: {  	s5 =	sor.u32 s6, s14;
	v0 =	vmin.f32 v2, $1.000000000e+00;
	[smem:$0x7DD] =	sst s9  }
0xbe: {  	v1 =	vmax.f32 v1, $-1.000000000e+00;
	[tilespmem:s5+$0x0] =	vst v0;
	s5 =	sor.u32 s3, s9;
	s9 =	sor.u32 $0x8280, s12  }
0xbf: {  	v1 =	vmin.f32 v1, $1.000000000e+00;
	[smem:$0x7DE] =	sst s9  }
0xc0: {  	[tilespmem:s5+$0x0] =	vst v1;
	s5 =	sor.u32 s3, s9;
	s9 =	sor.u32 $0x8300, s12  }
0xc1: {  	v2 =	vld [tilespmem:s4+$0x0];
	[smem:$0x7DF] =	sst s9  }
0xc2: {  	s4 =	sor.u32 $0x8380, s12;
	[tilespmem:s5+$0x0] =	vst v1  }
0xc3: {  	s2 =	sor.u32 s3, s9;
	[smem:$0x7E0] =	sst s4  }
0xc4: {  	s5 =	sor.u32 s3, s4;
	[tilespmem:s2+$0x0] =	vst v1  }
0xc5: {  	s9 =	sor.u32 s6, s16;
	[tilespmem:s5+$0x0] =	vst v1  }
0xc6: {  	s5 =	sor.u32 s6, s21;
	s4 =	sld [smem:$0x7D2];
	[tilespmem:s9+$0x0] =	vst v0  }
0xc7: {  	v2 =	vmax.f32 v2, $-1.000000000e+00;
	s9 =	sor.u32 s6, s10;
	[tilespmem:s5+$0x0] =	vst v0  }
0xc8: {  	s2 =	sor.u32 s11, s14;
	[tilespmem:s9+$0x0] =	vst v0;
	v0 =	vmin.f32 v2, $1.000000000e+00  }
0xc9: {  	v1 =	vld [tilespmem:s4+$0x0];
	[tilespmem:s2+$0x0] =	vst v0  }
0xca: {  	s4 =	sor.u32 s11, s16;
	s5 =	sld [smem:$0x7D3]  }
0xcb: {  	s9 =	sor.u32 s11, s21;
	[tilespmem:s4+$0x0] =	vst v0  }
0xcc: {  	s14 =	sor.u32 $0x9000, s12;
	[tilespmem:s9+$0x0] =	vst v0  }
0xcd: {  	s10 =	sor.u32 s11, s10;
	v2 =	vld [tilespmem:s5+$0x0];
	[smem:$0x7E3] =	sst s14  }
0xce: {  	s21 =	sor.u32 $0x9080, s12;
	v1 =	vmax.f32 v1, $-1.000000000e+00;
	[tilespmem:s10+$0x0] =	vst v0  }
0xcf: {  	s16 =	sor.u32 s3, s14;
	v0 =	vmin.f32 v1, $1.000000000e+00;
	[smem:$0x7E4] =	sst s21  }
0xd0: {  	s5 =	sor.u32 $0x9100, s12;
	[tilespmem:s16+$0x0] =	vst v0  }
0xd1: {  	s4 =	sor.u32 s3, s21;
	[smem:$0x7E6] =	sst s5  }
0xd2: {  	s10 =	sor.u32 $0x9180, s12;
	[tilespmem:s4+$0x0] =	vst v0  }
0xd3: {  	s9 =	sor.u32 s3, s5;
	v1 =	vld [tilespmem:s31+$0x0];
	[smem:$0x7E7] =	sst s10  }
0xd4: {  	s14 =	sor.u32 s3, s10;
	v2 =	vmax.f32 v2, $-1.000000000e+00;
	[tilespmem:s9+$0x0] =	vst v0  }
0xd5: {  	s16 =	sor.u32 s0, s29;
	[tilespmem:s14+$0x0] =	vst v0;
	v0 =	vmin.f32 v2, $1.000000000e+00  }
0xd6: {  	s2 =	sor.u32 s0, s24;
	s21 =	sld [smem:$0x7D4];
	[tilespmem:s16+$0x0] =	vst v0  }
0xd7: {  	s4 =	sor.u32 s0, s23;
	[tilespmem:s2+$0x0] =	vst v0  }
0xd8: {  	s5 =	sor.u32 s0, s22;
	v1 =	vmax.f32 v1, $-1.000000000e+00;
	[tilespmem:s4+$0x0] =	vst v0  }
0xd9: {  	s9 =	sor.u32 s6, s29;
	[tilespmem:s5+$0x0] =	vst v0;
	v0 =	vmin.f32 v1, $1.000000000e+00  }
0xda: {  	v2 =	vld [tilespmem:s21+$0x0];
	[tilespmem:s9+$0x0] =	vst v0  }
0xdb: {  	s14 =	sld [smem:$0x7D5]  }
0xdc: {  	s10 =	sor.u32 s6, s24  }
0xdd: {  	s21 =	sor.u32 $0x9200, s12;
	[tilespmem:s10+$0x0] =	vst v0  }
0xde: {  	s16 =	sor.u32 s6, s23;
	v1 =	vld [tilespmem:s14+$0x0];
	[smem:$0x7EA] =	sst s21  }
0xdf: {  	s4 =	sor.u32 $0x9280, s12;
	v2 =	vmax.f32 v2, $-1.000000000e+00;
	[tilespmem:s16+$0x0] =	vst v0  }
0xe0: {  	s2 =	sor.u32 s3, s21;
	v2 =	vmin.f32 v2, $1.000000000e+00;
	[smem:$0x7EB] =	sst s4  }
0xe1: {  	s9 =	sor.u32 $0x9300, s12;
	[tilespmem:s2+$0x0] =	vst v2  }
0xe2: {  	s5 =	sor.u32 s3, s4;
	[smem:$0x7ED] =	sst s9  }
0xe3: {  	s14 =	sor.u32 $0x9380, s12;
	[tilespmem:s5+$0x0] =	vst v2  }
0xe4: {  	s10 =	sor.u32 s3, s9;
	[smem:$0x7EE] =	sst s14  }
0xe5: {  	s16 =	sor.u32 s3, s14;
	[tilespmem:s10+$0x0] =	vst v2  }
0xe6: {  	s21 =	sor.u32 s6, s22;
	v1 =	vmax.f32 v1, $-1.000000000e+00;
	[tilespmem:s16+$0x0] =	vst v2  }
0xe7: {  	s5 =	sor.u32 s11, s29;
	s4 =	sld [smem:$0x7D6];
	[tilespmem:s21+$0x0] =	vst v0;
	v0 =	vmin.f32 v1, $1.000000000e+00  }
0xe8: {  	s9 =	sor.u32 s11, s24;
	[tilespmem:s5+$0x0] =	vst v0  }
0xe9: {  	v3 =	vld [tilespmem:s8+$0x1000];
	s10 =	sor.u32 s11, s23;
	[tilespmem:s9+$0x0] =	vst v0  }
0xea: {  	s14 =	sor.u32 s11, s22;
	[tilespmem:s10+$0x0] =	vst v0  }
0xeb: {  	[tilespmem:s14+$0x0] =	vst v0  }
0xec: {  	s9 =	sld [smem:$0x7D7];
	_ =	sdelay $0x1  }
0xed: {  	v1 =	vmax.f32 v3, $-1.000000000e+00  }
0xee: {  	v0 =	vmin.f32 v1, $1.000000000e+00;
	s16 =	sor.u32 s0, s9  }
0xef: {  	v2 =	vld [tilespmem:s4+$0x0];
	[tilespmem:s16+$0x0] =	vst v0  }
0xf0: {  	s4 =	sld [smem:$0x7D8];
	_ =	sdelay $0x1  }
0xf1: {  	s22 =	sor.u32 $0xA000, s12  }
0xf2: {  	[smem:$0x7F1] =	sst s22;
	s21 =	sor.u32 s0, s4  }
0xf3: {  	s24 =	sor.u32 $0xA080, s12;
	v1 =	vmax.f32 v2, $-1.000000000e+00;
	[tilespmem:s21+$0x0] =	vst v0  }
0xf4: {  	s23 =	sor.u32 s3, s22;
	v1 =	vmin.f32 v1, $1.000000000e+00;
	v2 =	vld [tilespmem:s7+$0x1000];
	[smem:$0x7F2] =	sst s24  }
0xf5: {  	s10 =	sor.u32 $0xA100, s12;
	[tilespmem:s23+$0x0] =	vst v1  }
0xf6: {  	s5 =	sor.u32 s3, s24;
	[smem:$0x7F4] =	sst s10  }
0xf7: {  	s31 =	sor.u32 $0xA180, s12;
	s14 =	sor.u32 s3, s10;
	[tilespmem:s5+$0x0] =	vst v1  }
0xf8: {  	s16 =	sor.u32 s3, s31;
	[tilespmem:s14+$0x0] =	vst v1  }
0xf9: {  	[tilespmem:s16+$0x0] =	vst v1  }
0xfa: {  	s5 =	sld [smem:$0x7D9];
	_ =	sdelay $0x2  }
0xfb: {  	s21 =	sor.u32 s0, s5  }
0xfc: {  	s22 =	sld [smem:$0x7DA];
	[tilespmem:s21+$0x0] =	vst v0  }
0xfd: {  	s2 =	sld [smem:$0x7DB];
	_ =	sdelay $0x2  }
0xfe: {  	v2 =	vmax.f32 v2, $-1.000000000e+00;
	v1 =	vld [tilespmem:s25+$0x1000];
	s23 =	sor.u32 s0, s2  }
0xff: {  	s24 =	sor.u32 s6, s9;
	v3 =	vld [tilespmem:s22+$0x0];
	[tilespmem:s23+$0x0] =	vst v0;
	v0 =	vmin.f32 v2, $1.000000000e+00  }
0x100: {  	s10 =	sor.u32 s6, s4;
	[tilespmem:s24+$0x0] =	vst v0  }
0x101: {  	s14 =	sor.u32 s6, s5;
	[tilespmem:s10+$0x0] =	vst v0  }
0x102: {  	s16 =	sor.u32 s6, s2;
	[tilespmem:s14+$0x0] =	vst v0  }
0x103: {  	s22 =	sor.u32 $0xA200, s12;
	v1 =	vmax.f32 v1, $-1.000000000e+00;
	[tilespmem:s16+$0x0] =	vst v0  }
0x104: {  	s21 =	sor.u32 s11, s9;
	v0 =	vmin.f32 v1, $1.000000000e+00;
	v1 =	vmax.f32 v3, $-1.000000000e+00;
	[smem:$0x7F7] =	sst s22  }
0x105: {  	s29 =	sor.u32 $0xA280, s12;
	s23 =	sor.u32 s3, s22;
	v1 =	vmin.f32 v1, $1.000000000e+00;
	[tilespmem:s21+$0x0] =	vst v0  }
0x106: {  	s24 =	sor.u32 s3, s29;
	[tilespmem:s23+$0x0] =	vst v1;
	v2 =	vld [tilespmem:s8+$0x1080]  }
0x107: {  	s14 =	sor.u32 s11, s4;
	s16 =	sor.u32 $0xA300, s12;
	[tilespmem:s24+$0x0] =	vst v1  }
0x108: {  	s9 =	sor.u32 s3, s16;
	[tilespmem:s14+$0x0] =	vst v0  }
0x109: {  	s21 =	sor.u32 s11, s5;
	s24 =	sor.u32 $0xA380, s12;
	[tilespmem:s9+$0x0] =	vst v1  }
0x10a: {  	s10 =	sor.u32 s3, s24;
	[tilespmem:s21+$0x0] =	vst v0  }
0x10b: {  	s22 =	sor.u32 s11, s2;
	[tilespmem:s10+$0x0] =	vst v1;
	v2 =	vmax.f32 v2, $-1.000000000e+00  }
0x10c: {  	s23 =	sor.u32 s0, s20;
	[tilespmem:s22+$0x0] =	vst v0;
	v1 =	vld [tilespmem:s15+$0x2000];
	v0 =	vmin.f32 v2, $1.000000000e+00  }
0x10d: {  	s2 =	sor.u32 s0, s13;
	[tilespmem:s23+$0x0] =	vst v0  }
0x10e: {  	s4 =	sor.u32 s0, s28;
	[tilespmem:s2+$0x0] =	vst v0  }
0x10f: {  	s9 =	sor.u32 $0xB000, s12;
	[tilespmem:s4+$0x0] =	vst v0  }
0x110: {  	s5 =	sor.u32 s0, s18;
	v2 =	vld [tilespmem:s7+$0x1080];
	[smem:$0x7F9] =	sst s9  }
0x111: {  	s14 =	sor.u32 $0xB080, s12;
	v1 =	vmax.f32 v1, $-1.000000000e+00;
	[tilespmem:s5+$0x0] =	vst v0  }
0x112: {  	s10 =	sor.u32 s3, s9;
	v0 =	vmin.f32 v1, $1.000000000e+00;
	[smem:$0x7FA] =	sst s14  }
0x113: {  	s21 =	sor.u32 s3, s14;
	s22 =	sor.u32 $0xB100, s12;
	[tilespmem:s10+$0x0] =	vst v0  }
0x114: {  	s23 =	sor.u32 s3, s22;
	v1 =	vld [tilespmem:s25+$0x1080];
	[tilespmem:s21+$0x0] =	vst v0;
	s21 =	sor.u32 $0xB180, s12  }
0x115: {  	v2 =	vmax.f32 v2, $-1.000000000e+00;
	[tilespmem:s23+$0x0] =	vst v0;
	s2 =	sor.u32 s3, s21  }
0x116: {  	s4 =	sor.u32 s6, s20;
	[tilespmem:s2+$0x0] =	vst v0;
	v0 =	vmin.f32 v2, $1.000000000e+00  }
0x117: {  	s5 =	sor.u32 s6, s13;
	[tilespmem:s4+$0x0] =	vst v0;
	v2 =	vld [tilespmem:s15+$0x2080]  }
0x118: {  	s9 =	sor.u32 s6, s28;
	[tilespmem:s5+$0x0] =	vst v0  }
0x119: {  	s10 =	sor.u32 s6, s18;
	v1 =	vmax.f32 v1, $-1.000000000e+00;
	[tilespmem:s9+$0x0] =	vst v0  }
0x11a: {  	s14 =	sor.u32 s11, s20;
	[tilespmem:s10+$0x0] =	vst v0;
	v0 =	vmin.f32 v1, $1.000000000e+00  }
0x11b: {  	s20 =	sor.u32 s11, s13;
	[tilespmem:s14+$0x0] =	vst v0  }
0x11c: {  	s23 =	sor.u32 s11, s28;
	s28 =	sor.u32 $0xB200, s12;
	v1 =	vld [tilespmem:s8+$0x1100];
	[tilespmem:s20+$0x0] =	vst v0;
	v2 =	vmax.f32 v2, $-1.000000000e+00  }
0x11d: {  	s2 =	sor.u32 s3, s28;
	[tilespmem:s23+$0x0] =	vst v0;
	v2 =	vmin.f32 v2, $1.000000000e+00;
	s23 =	sor.u32 $0xB280, s12  }
0x11e: {  	s13 =	sor.u32 $0xB300, s12;
	[tilespmem:s2+$0x0] =	vst v2;
	s4 =	sor.u32 s3, s23  }
0x11f: {  	s5 =	sor.u32 s3, s13;
	s14 =	sor.u32 $0xB380, s12;
	[tilespmem:s4+$0x0] =	vst v2  }
0x120: {  	v3 =	vld [tilespmem:s7+$0x1100];
	s9 =	sor.u32 s3, s14;
	[tilespmem:s5+$0x0] =	vst v2  }
0x121: {  	s10 =	sor.u32 s11, s18;
	v1 =	vmax.f32 v1, $-1.000000000e+00;
	[tilespmem:s9+$0x0] =	vst v2  }
0x122: {  	s18 =	sor.u32 s0, s30;
	[tilespmem:s10+$0x0] =	vst v0;
	v0 =	vmin.f32 v1, $1.000000000e+00;
	v2 =	vld [tilespmem:s15+$0x2100]  }
0x123: {  	s20 =	sor.u32 s0, s26;
	[tilespmem:s18+$0x0] =	vst v0  }
0x124: {  	s2 =	sor.u32 s0, s19;
	[tilespmem:s20+$0x0] =	vst v0  }
0x125: {  	s4 =	sor.u32 s0, s17;
	v1 =	vmax.f32 v3, $-1.000000000e+00;
	[tilespmem:s2+$0x0] =	vst v0  }
0x126: {  	s5 =	sor.u32 s6, s30;
	[tilespmem:s4+$0x0] =	vst v0;
	v0 =	vmin.f32 v1, $1.000000000e+00  }
0x127: {  	s9 =	sor.u32 s6, s26;
	s15 =	sor.u32 $0xC000, s12;
	[tilespmem:s5+$0x0] =	vst v0;
	v1 =	vmax.f32 v2, $-1.000000000e+00  }
0x128: {  	s10 =	sor.u32 s3, s15;
	s5 =	sor.u32 $0xC080, s12;
	[tilespmem:s9+$0x0] =	vst v0;
	v2 =	vld [tilespmem:s25+$0x1100];
	v1 =	vmin.f32 v1, $1.000000000e+00  }
0x129: {  	s18 =	sor.u32 s3, s5;
	[tilespmem:s10+$0x0] =	vst v1;
	s10 =	sor.u32 $0xC100, s12  }
0x12a: {  	s1 =	sor.u32 $0xC180, s12;
	[tilespmem:s18+$0x0] =	vst v1;
	s20 =	sor.u32 s3, s10  }
0x12b: {  	s4 =	sor.u32 s3, s1;
	[tilespmem:s20+$0x0] =	vst v1  }
0x12c: {  	s9 =	sor.u32 s6, s19;
	[tilespmem:s4+$0x0] =	vst v1  }
0x12d: {  	s20 =	sor.u32 s6, s17;
	v2 =	vmax.f32 v2, $-1.000000000e+00;
	s18 =	sld [smem:$0x7DC];
	[tilespmem:s9+$0x0] =	vst v0  }
0x12e: {  	s30 =	sor.u32 s11, s30;
	[tilespmem:s20+$0x0] =	vst v0;
	v0 =	vmin.f32 v2, $1.000000000e+00  }
0x12f: {  	s4 =	sor.u32 s11, s26;
	[tilespmem:s30+$0x0] =	vst v0  }
0x130: {  	v1 =	vld [tilespmem:s8+$0x1180];
	s9 =	sor.u32 s11, s19;
	[tilespmem:s4+$0x0] =	vst v0  }
0x131: {  	v3 =	vld [tilespmem:s18+$0x0];
	s18 =	sor.u32 s11, s17;
	[tilespmem:s9+$0x0] =	vst v0  }
0x132: {  	[tilespmem:s18+$0x0] =	vst v0  }
0x133: {  	s26 =	sld [smem:$0x7DD];
	_ =	sdelay $0x1  }
0x134: {  	v1 =	vmax.f32 v1, $-1.000000000e+00  }
0x135: {  	s2 =	sor.u32 $0xC200, s12;
	v0 =	vmin.f32 v1, $1.000000000e+00;
	v1 =	vmax.f32 v3, $-1.000000000e+00;
	s19 =	sor.u32 s0, s26  }
0x136: {  	s20 =	sor.u32 s3, s2;
	s4 =	sor.u32 $0xC280, s12;
	v1 =	vmin.f32 v1, $1.000000000e+00;
	[tilespmem:s19+$0x0] =	vst v0  }
0x137: {  	s30 =	sor.u32 s3, s4;
	s9 =	sor.u32 $0xC300, s12;
	[tilespmem:s20+$0x0] =	vst v1  }
0x138: {  	s12 =	sor.u32 $0xC380, s12;
	s18 =	sor.u32 s3, s9;
	[tilespmem:s30+$0x0] =	vst v1  }
0x139: {  	s3 =	sor.u32 s3, s12;
	[tilespmem:s18+$0x0] =	vst v1  }
0x13a: {  	[tilespmem:s3+$0x0] =	vst v1  }
0x13b: {  	s18 =	sld [smem:$0x7DE];
	_ =	sdelay $0x2  }
0x13c: {  	s19 =	sor.u32 s0, s18  }
0x13d: {  	[tilespmem:s19+$0x0] =	vst v0  }
0x13e: {  	s19 =	sld [smem:$0x7DF];
	_ =	sdelay $0x2  }
0x13f: {  	v2 =	vld [tilespmem:s7+$0x1180];
	s20 =	sor.u32 s0, s19  }
0x140: {  	[tilespmem:s20+$0x0] =	vst v0  }
0x141: {  	s20 =	sld [smem:$0x7E0];
	_ =	sdelay $0x2  }
0x142: {  	v2 =	vmax.f32 v2, $-1.000000000e+00;
	s30 =	sor.u32 s0, s20  }
0x143: {  	s17 =	sor.u32 s6, s26;
	v1 =	vld [tilespmem:s25+$0x1180];
	[tilespmem:s30+$0x0] =	vst v0;
	v0 =	vmin.f32 v2, $1.000000000e+00  }
0x144: {  	[tilespmem:s17+$0x0] =	vst v0  }
0x145: {  	s17 =	sld [smem:$0x7E1]  }
0x146: {  	s30 =	sor.u32 s6, s18  }
0x147: {  	[tilespmem:s30+$0x0] =	vst v0;
	s30 =	sor.u32 s6, s19  }
0x148: {  	v1 =	vmax.f32 v1, $-1.000000000e+00;
	[tilespmem:s30+$0x0] =	vst v0;
	v2 =	vld [tilespmem:s17+$0x0];
	s17 =	sor.u32 s6, s20  }
0x149: {  	s26 =	sor.u32 s11, s26;
	[tilespmem:s17+$0x0] =	vst v0;
	v0 =	vmin.f32 v1, $1.000000000e+00  }
0x14a: {  	s30 =	sor.u32 s11, s18;
	[tilespmem:s26+$0x0] =	vst v0  }
0x14b: {  	s19 =	sor.u32 s11, s19;
	s18 =	sld [smem:$0x7E2];
	[tilespmem:s30+$0x0] =	vst v0  }
0x14c: {  	s20 =	sor.u32 s11, s20;
	[tilespmem:s19+$0x0] =	vst v0  }
0x14d: {  	[tilespmem:s20+$0x0] =	vst v0  }
0x14e: {  	v1 =	vld [tilespmem:s18+$0x0];
	s18 =	sld [smem:$0x7E3];
	_ =	sdelay $0x1  }
0x14f: {  	v2 =	vmax.f32 v2, $-1.000000000e+00  }
0x150: {  	v0 =	vmin.f32 v2, $1.000000000e+00;
	s26 =	sor.u32 s0, s18  }
0x151: {  	[tilespmem:s26+$0x0] =	vst v0  }
0x152: {  	s19 =	sld [smem:$0x7E4];
	_ =	sdelay $0x1  }
0x153: {  	s20 =	sld [smem:$0x7E5]  }
0x154: {  	s30 =	sor.u32 s0, s19  }
0x155: {  	[tilespmem:s30+$0x0] =	vst v0  }
0x156: {  	v2 =	vld [tilespmem:s20+$0x0];
	s20 =	sld [smem:$0x7E6];
	_ =	sdelay $0x2  }
0x157: {  	s26 =	sor.u32 s0, s20  }
0x158: {  	[tilespmem:s26+$0x0] =	vst v0  }
0x159: {  	s26 =	sld [smem:$0x7E7];
	_ =	sdelay $0x2  }
0x15a: {  	v1 =	vmax.f32 v1, $-1.000000000e+00;
	s30 =	sor.u32 s0, s26  }
0x15b: {  	s17 =	sor.u32 s6, s18;
	[tilespmem:s30+$0x0] =	vst v0;
	v0 =	vmin.f32 v1, $1.000000000e+00  }
0x15c: {  	[tilespmem:s17+$0x0] =	vst v0  }
0x15d: {  	s30 =	sld [smem:$0x7E8];
	_ =	sdelay $0x1  }
0x15e: {  	s3 =	sor.u32 s6, s19  }
0x15f: {  	[tilespmem:s3+$0x0] =	vst v0;
	v1 =	vld [tilespmem:s30+$0x0];
	s30 =	sor.u32 s6, s20  }
0x160: {  	v2 =	vmax.f32 v2, $-1.000000000e+00;
	s17 =	sor.u32 s6, s26;
	[tilespmem:s30+$0x0] =	vst v0  }
0x161: {  	s18 =	sor.u32 s11, s18;
	[tilespmem:s17+$0x0] =	vst v0;
	v0 =	vmin.f32 v2, $1.000000000e+00  }
0x162: {  	s30 =	sor.u32 s11, s19;
	[tilespmem:s18+$0x0] =	vst v0  }
0x163: {  	s19 =	sor.u32 s11, s20;
	s18 =	sld [smem:$0x7E9];
	[tilespmem:s30+$0x0] =	vst v0  }
0x164: {  	s20 =	sor.u32 s11, s26;
	[tilespmem:s19+$0x0] =	vst v0  }
0x165: {  	[tilespmem:s20+$0x0] =	vst v0  }
0x166: {  	v2 =	vld [tilespmem:s18+$0x0];
	s18 =	sld [smem:$0x7EA];
	_ =	sdelay $0x1  }
0x167: {  	v1 =	vmax.f32 v1, $-1.000000000e+00  }
0x168: {  	v0 =	vmin.f32 v1, $1.000000000e+00;
	s26 =	sor.u32 s0, s18  }
0x169: {  	[tilespmem:s26+$0x0] =	vst v0  }
0x16a: {  	s19 =	sld [smem:$0x7EB];
	_ =	sdelay $0x1  }
0x16b: {  	s20 =	sld [smem:$0x7EC]  }
0x16c: {  	s30 =	sor.u32 s0, s19  }
0x16d: {  	[tilespmem:s30+$0x0] =	vst v0  }
0x16e: {  	v1 =	vld [tilespmem:s20+$0x0];
	s20 =	sld [smem:$0x7ED];
	_ =	sdelay $0x2  }
0x16f: {  	s26 =	sor.u32 s0, s20  }
0x170: {  	[tilespmem:s26+$0x0] =	vst v0  }
0x171: {  	s26 =	sld [smem:$0x7EE];
	_ =	sdelay $0x2  }
0x172: {  	v2 =	vmax.f32 v2, $-1.000000000e+00;
	s30 =	sor.u32 s0, s26  }
0x173: {  	s17 =	sor.u32 s6, s18;
	[tilespmem:s30+$0x0] =	vst v0;
	v0 =	vmin.f32 v2, $1.000000000e+00  }
0x174: {  	[tilespmem:s17+$0x0] =	vst v0  }
0x175: {  	s30 =	sld [smem:$0x7EF];
	_ =	sdelay $0x1  }
0x176: {  	s3 =	sor.u32 s6, s19  }
0x177: {  	[tilespmem:s3+$0x0] =	vst v0;
	v2 =	vld [tilespmem:s30+$0x0];
	s30 =	sor.u32 s6, s20  }
0x178: {  	v1 =	vmax.f32 v1, $-1.000000000e+00;
	s17 =	sor.u32 s6, s26;
	[tilespmem:s30+$0x0] =	vst v0  }
0x179: {  	s18 =	sor.u32 s11, s18;
	[tilespmem:s17+$0x0] =	vst v0;
	v0 =	vmin.f32 v1, $1.000000000e+00  }
0x17a: {  	s19 =	sor.u32 s11, s19;
	[tilespmem:s18+$0x0] =	vst v0  }
0x17b: {  	s17 =	sor.u32 s11, s20;
	s30 =	sld [smem:$0x7F0];
	[tilespmem:s19+$0x0] =	vst v0  }
0x17c: {  	s18 =	sor.u32 s11, s26;
	[tilespmem:s17+$0x0] =	vst v0  }
0x17d: {  	[tilespmem:s18+$0x0] =	vst v0  }
0x17e: {  	s18 =	sld [smem:$0x7F1];
	_ =	sdelay $0x1  }
0x17f: {  	v2 =	vmax.f32 v2, $-1.000000000e+00  }
0x180: {  	v0 =	vmin.f32 v2, $1.000000000e+00;
	s19 =	sor.u32 s0, s18  }
0x181: {  	[tilespmem:s19+$0x0] =	vst v0  }
0x182: {  	s19 =	sld [smem:$0x7F2];
	_ =	sdelay $0x2  }
0x183: {  	s20 =	sor.u32 s0, s19  }
0x184: {  	v1 =	vld [tilespmem:s30+$0x0];
	s26 =	sld [smem:$0x7F3];
	[tilespmem:s20+$0x0] =	vst v0  }
0x185: {  	s20 =	sld [smem:$0x7F4];
	_ =	sdelay $0x2  }
0x186: {  	v2 =	vld [tilespmem:s26+$0x0];
	s30 =	sor.u32 s0, s20  }
0x187: {  	s17 =	sor.u32 s0, s31;
	v1 =	vmax.f32 v1, $-1.000000000e+00;
	[tilespmem:s30+$0x0] =	vst v0  }
0x188: {  	s26 =	sor.u32 s6, s18;
	[tilespmem:s17+$0x0] =	vst v0;
	v0 =	vmin.f32 v1, $1.000000000e+00  }
0x189: {  	s30 =	sor.u32 s6, s19;
	[tilespmem:s26+$0x0] =	vst v0  }
0x18a: {  	s26 =	sld [smem:$0x7F5];
	[tilespmem:s30+$0x0] =	vst v0;
	s30 =	sor.u32 s6, s20  }
0x18b: {  	v2 =	vmax.f32 v2, $-1.000000000e+00;
	s17 =	sor.u32 s6, s31;
	[tilespmem:s30+$0x0] =	vst v0  }
0x18c: {  	s18 =	sor.u32 s11, s18;
	[tilespmem:s17+$0x0] =	vst v0;
	v0 =	vmin.f32 v2, $1.000000000e+00  }
0x18d: {  	v1 =	vld [tilespmem:s26+$0x0];
	[tilespmem:s18+$0x0] =	vst v0;
	s26 =	sor.u32 s11, s19  }
0x18e: {  	s18 =	sor.u32 s11, s20;
	s30 =	sld [smem:$0x7F6];
	[tilespmem:s26+$0x0] =	vst v0  }
0x18f: {  	s19 =	sor.u32 s11, s31;
	[tilespmem:s18+$0x0] =	vst v0  }
0x190: {  	[tilespmem:s19+$0x0] =	vst v0  }
0x191: {  	s18 =	sld [smem:$0x7F7];
	_ =	sdelay $0x1  }
0x192: {  	v1 =	vmax.f32 v1, $-1.000000000e+00  }
0x193: {  	v0 =	vmin.f32 v1, $1.000000000e+00;
	s20 =	sor.u32 s0, s18  }
0x194: {  	v2 =	vld [tilespmem:s30+$0x0];
	[tilespmem:s20+$0x0] =	vst v0  }
0x195: {  	s30 =	sld [smem:$0x7F8];
	_ =	sdelay $0x1  }
0x196: {  	s26 =	sor.u32 s0, s29  }
0x197: {  	s19 =	sor.u32 s0, s16;
	[tilespmem:s26+$0x0] =	vst v0;
	v1 =	vld [tilespmem:s30+$0x0]  }
0x198: {  	s20 =	sor.u32 s0, s24;
	v2 =	vmax.f32 v2, $-1.000000000e+00;
	[tilespmem:s19+$0x0] =	vst v0  }
0x199: {  	s26 =	sor.u32 s6, s18;
	[tilespmem:s20+$0x0] =	vst v0;
	v0 =	vmin.f32 v2, $1.000000000e+00  }
0x19a: {  	[tilespmem:s26+$0x0] =	vst v0;
	s30 =	sor.u32 s6, s29  }
0x19b: {  	s17 =	sor.u32 s6, s16;
	[tilespmem:s30+$0x0] =	vst v0  }
0x19c: {  	s19 =	sor.u32 s6, s24;
	[tilespmem:s17+$0x0] =	vst v0;
	v1 =	vmax.f32 v1, $-1.000000000e+00  }
0x19d: {  	s20 =	sor.u32 s11, s18;
	[tilespmem:s19+$0x0] =	vst v0;
	v0 =	vmin.f32 v1, $1.000000000e+00  }
0x19e: {  	s26 =	sor.u32 s11, s29;
	[tilespmem:s20+$0x0] =	vst v0  }
0x19f: {  	v2 =	vld [tilespmem:s8+$0x2000];
	s30 =	sor.u32 s11, s16;
	[tilespmem:s26+$0x0] =	vst v0  }
0x1a0: {  	s16 =	sor.u32 s11, s24;
	[tilespmem:s30+$0x0] =	vst v0  }
0x1a1: {  	[tilespmem:s16+$0x0] =	vst v0  }
0x1a2: {  	s16 =	sld [smem:$0x7F9];
	_ =	sdelay $0x1  }
0x1a3: {  	v2 =	vmax.f32 v2, $-1.000000000e+00  }
0x1a4: {  	v0 =	vmin.f32 v2, $1.000000000e+00;
	s17 =	sor.u32 s0, s16  }
0x1a5: {  	[tilespmem:s17+$0x0] =	vst v0  }
0x1a6: {  	v1 =	vld [tilespmem:s7+$0x2000];
	s17 =	sld [smem:$0x7FA];
	_ =	sdelay $0x2  }
0x1a7: {  	s18 =	sor.u32 s0, s17  }
0x1a8: {  	s19 =	sor.u32 s0, s22;
	v2 =	vld [tilespmem:s25+$0x2000];
	[tilespmem:s18+$0x0] =	vst v0  }
0x1a9: {  	s20 =	sor.u32 s0, s21;
	v1 =	vmax.f32 v1, $-1.000000000e+00;
	[tilespmem:s19+$0x0] =	vst v0  }
0x1aa: {  	s24 =	sor.u32 s6, s16;
	[tilespmem:s20+$0x0] =	vst v0;
	v0 =	vmin.f32 v1, $1.000000000e+00  }
0x1ab: {  	s26 =	sor.u32 s6, s17;
	[tilespmem:s24+$0x0] =	vst v0  }
0x1ac: {  	s30 =	sor.u32 s6, s22;
	v1 =	vld [tilespmem:s8+$0x2080];
	[tilespmem:s26+$0x0] =	vst v0  }
0x1ad: {  	v2 =	vmax.f32 v2, $-1.000000000e+00;
	s18 =	sor.u32 s6, s21;
	[tilespmem:s30+$0x0] =	vst v0  }
0x1ae: {  	s19 =	sor.u32 s11, s16;
	[tilespmem:s18+$0x0] =	vst v0;
	v0 =	vmin.f32 v2, $1.000000000e+00  }
0x1af: {  	s20 =	sor.u32 s11, s17;
	[tilespmem:s19+$0x0] =	vst v0  }
0x1b0: {  	s22 =	sor.u32 s11, s22;
	v2 =	vld [tilespmem:s7+$0x2080];
	[tilespmem:s20+$0x0] =	vst v0  }
0x1b1: {  	s24 =	sor.u32 s11, s21;
	v1 =	vmax.f32 v1, $-1.000000000e+00;
	[tilespmem:s22+$0x0] =	vst v0  }
0x1b2: {  	s26 =	sor.u32 s0, s28;
	[tilespmem:s24+$0x0] =	vst v0;
	v0 =	vmin.f32 v1, $1.000000000e+00  }
0x1b3: {  	s30 =	sor.u32 s0, s23;
	[tilespmem:s26+$0x0] =	vst v0  }
0x1b4: {  	s16 =	sor.u32 s0, s13;
	v1 =	vld [tilespmem:s25+$0x2080];
	[tilespmem:s30+$0x0] =	vst v0  }
0x1b5: {  	s17 =	sor.u32 s0, s14;
	v2 =	vmax.f32 v2, $-1.000000000e+00;
	[tilespmem:s16+$0x0] =	vst v0  }
0x1b6: {  	s18 =	sor.u32 s6, s28;
	[tilespmem:s17+$0x0] =	vst v0;
	v0 =	vmin.f32 v2, $1.000000000e+00  }
0x1b7: {  	s19 =	sor.u32 s6, s23;
	[tilespmem:s18+$0x0] =	vst v0  }
0x1b8: {  	s20 =	sor.u32 s6, s13;
	v2 =	vld [tilespmem:s8+$0x2100];
	[tilespmem:s19+$0x0] =	vst v0  }
0x1b9: {  	s21 =	sor.u32 s6, s14;
	v1 =	vmax.f32 v1, $-1.000000000e+00;
	[tilespmem:s20+$0x0] =	vst v0  }
0x1ba: {  	s22 =	sor.u32 s11, s28;
	[tilespmem:s21+$0x0] =	vst v0;
	v0 =	vmin.f32 v1, $1.000000000e+00  }
0x1bb: {  	s24 =	sor.u32 s11, s23;
	[tilespmem:s22+$0x0] =	vst v0  }
0x1bc: {  	s26 =	sor.u32 s11, s13;
	v1 =	vld [tilespmem:s7+$0x2100];
	[tilespmem:s24+$0x0] =	vst v0  }
0x1bd: {  	s28 =	sor.u32 s11, s14;
	v2 =	vmax.f32 v2, $-1.000000000e+00;
	[tilespmem:s26+$0x0] =	vst v0  }
0x1be: {  	s30 =	sor.u32 s0, s15;
	[tilespmem:s28+$0x0] =	vst v0;
	v0 =	vmin.f32 v2, $1.000000000e+00  }
0x1bf: {  	s13 =	sor.u32 s0, s5;
	[tilespmem:s30+$0x0] =	vst v0  }
0x1c0: {  	s14 =	sor.u32 s0, s10;
	v2 =	vld [tilespmem:s25+$0x2100];
	[tilespmem:s13+$0x0] =	vst v0  }
0x1c1: {  	s16 =	sor.u32 s0, s1;
	v1 =	vmax.f32 v1, $-1.000000000e+00;
	[tilespmem:s14+$0x0] =	vst v0  }
0x1c2: {  	s17 =	sor.u32 s6, s15;
	[tilespmem:s16+$0x0] =	vst v0;
	v0 =	vmin.f32 v1, $1.000000000e+00  }
0x1c3: {  	s18 =	sor.u32 s6, s5;
	[tilespmem:s17+$0x0] =	vst v0  }
0x1c4: {  	s19 =	sor.u32 s6, s10;
	v1 =	vld [tilespmem:s8+$0x2180];
	[tilespmem:s18+$0x0] =	vst v0  }
0x1c5: {  	s20 =	sor.u32 s6, s1;
	v2 =	vmax.f32 v2, $-1.000000000e+00;
	[tilespmem:s19+$0x0] =	vst v0  }
0x1c6: {  	s21 =	sor.u32 s11, s15;
	v2 =	vmin.f32 v2, $1.000000000e+00;
	[tilespmem:s20+$0x0] =	vst v0  }
0x1c7: {  	s22 =	sor.u32 s11, s5;
	[tilespmem:s21+$0x0] =	vst v2;
	v0 =	vld [tilespmem:s7+$0x2180]  }
0x1c8: {  	s31 =	sor.u32 s6, s12;
	s29 =	sor.u32 s6, s9;
	s23 =	sor.u32 s11, s10;
	[tilespmem:s22+$0x0] =	vst v2  }
0x1c9: {  	s1 =	sor.u32 s11, s1;
	s15 =	sor.u32 s6, s2;
	s24 =	sor.u32 s0, s12;
	v1 =	vmax.f32 v1, $-1.000000000e+00;
	[tilespmem:s23+$0x0] =	vst v2  }
0x1ca: {  	s26 =	sor.u32 s0, s2;
	s28 =	sor.u32 s0, s4;
	s30 =	sor.u32 s0, s9;
	[tilespmem:s1+$0x0] =	vst v2;
	v1 =	vmin.f32 v1, $1.000000000e+00  }
0x1cb: {  	s9 =	sor.u32 s11, s9;
	s0 =	simm.s32 $0x200;
	s13 =	sor.u32 s6, s4;
	[tilespmem:s26+$0x0] =	vst v1  }
0x1cc: {  	s8 =	sor.u32 s11, s2;
	s19 =	sor.u32 s11, s4;
	s4 =	simm.s32 $0x0;
	[tilespmem:s28+$0x0] =	vst v1;
	v0 =	vmax.f32 v0, $-1.000000000e+00  }
0x1cd: {  	s23 =	simm.s32 $0x0;
	s1 =	simm.s32 $0x40;
	s26 =	sor.u32 s11, s12;
	v2 =	vld [tilespmem:s25+$0x2180];
	[tilespmem:s30+$0x0] =	vst v1;
	v0 =	vmin.f32 v0, $1.000000000e+00  }
.LBB2_2:
0x1ce: {  	_ = 	snop  }
0x1cf: {  	s21 =	sand.u32 $0x40, s1;
	s25 =	sand.u32 $0xC00, s0;
	[tilespmem:s24+$0x0] =	vst v1  }
0x1d0: {  	[tilespmem:s15+$0x0] =	vst v0;
	s28 =	sor.u32 s21, s25  }
0x1d1: {  	[tilespmem:s13+$0x0] =	vst v0;
	v1 =	vld [tilespmem:s28+$0x0]  }
0x1d2: {  	[tilespmem:s29+$0x0] =	vst v0;
	v2 =	vmax.f32 v2, $-1.000000000e+00  }
0x1d3: {  	s24 =	sor.u32 $0x10, s21;
	[tilespmem:s31+$0x0] =	vst v0;
	v2 =	vmin.f32 v2, $1.000000000e+00  }
0x1d4: {  	s18 =	sor.u32 $0x30, s21;
	s5 =	sor.u32 s25, s24;
	[tilespmem:s8+$0x0] =	vst v2  }
0x1d5: {  	s11 =	sor.u32 s25, s18;
	v3 =	vld [tilespmem:s5+$0x0];
	[tilespmem:s19+$0x0] =	vst v2  }
0x1d6: {  	[dreg:$0x4] =	wrdreg s0;
	v1 =	vmax.f32 v1, $-1.000000000e+00;
	v6 =	vld [tilespmem:s11+$0x0];
	[tilespmem:s9+$0x0] =	vst v2  }
0x1d7: {  	s20 =	sor.u32 $0x20, s21;
	s16 =	rddreg [dreg:$0x4];
	v1 =	vmin.f32 v1, $1.000000000e+00;
	v7 =	vld [tilespmem:s11+$0x80];
	[tilespmem:s26+$0x0] =	vst v2  }
0x1d8: {  	s30 =	sor.u32 s25, s20;
	s0 =	sand.u32 $0xFFFFFC00, s16;
	[tilespmem:s28+$0x3000] =	vst v1  }
0x1d9: {  	s0 =	sadd.s32 s0, s1;
	v0 =	vld [tilespmem:s30+$0x0];
	[tilespmem:s28+$0x3080] =	vst v1  }
0x1da: {  	s15 =	sor.u32 $0x180, s0;
	v3 =	vmax.f32 v3, $-1.000000000e+00;
	[tilespmem:s28+$0x3100] =	vst v1  }
0x1db: {  	v2 =	vmin.f32 v3, $1.000000000e+00;
	[tilespmem:s15+$0x3000] =	vst v1  }
0x1dc: {  	v4 =	vld [tilespmem:s5+$0x80];
	[tilespmem:s5+$0x3000] =	vst v2  }
0x1dd: {  	[dreg:$0x5] =	wrdreg s1;
	p0 =	por !p0, !p0;
	s1 =	simm.s32 $0x1;
	[tilespmem:s5+$0x3080] =	vst v2  }
0x1de: {  	s1 =	simm.s32 @!p0 $0x0;
	v0 =	vmax.f32 v0, $-1.000000000e+00;
	[tilespmem:s5+$0x3100] =	vst v2;
	v57 =	vld [tilespmem:s28+$0x80]  }
0x1df: {  	s3 =	rddreg [dreg:$0x4];
	s1 =	sshll.u32 s1, $0x6;
	v56 =	vmin.f32 v0, $1.000000000e+00;
	[tilespmem:s5+$0x3180] =	vst v2  }
0x1e0: {  	s6 =	sadd.s32 s1, s3;
	[tilespmem:s30+$0x3000] =	vst v56  }
0x1e1: {  	s9 =	sadd.s32 $0x10, s6;
	v3 =	vmax.f32 v4, $-1.000000000e+00;
	[tilespmem:s30+$0x3080] =	vst v56  }
0x1e2: {  	s7 =	sor.u32 $0x200, s9;
	v3 =	vmin.f32 v3, $1.000000000e+00;
	[tilespmem:s30+$0x3100] =	vst v56  }
0x1e3: {  	v5 =	vld [tilespmem:s30+$0x80];
	[tilespmem:s7+$0x3000] =	vst v3;
	v2 =	vmax.f32 v57, $-1.000000000e+00  }
0x1e4: {  	s16 =	sor.u32 $0x200, s6;
	[tilespmem:s30+$0x3180] =	vst v56;
	v2 =	vmin.f32 v2, $1.000000000e+00  }
0x1e5: {  	s4 =	sadd.s32 $0x240, s4;
	s17 =	sor.u32 $0x280, s6;
	[tilespmem:s16+$0x3000] =	vst v2  }
0x1e6: {  	s23 =	sadd.s32 $0x4, s23;
	[dreg:$0x6] =	wrdreg s4;
	s19 =	sor.u32 $0x300, s6;
	[tilespmem:s17+$0x3000] =	vst v2  }
0x1e7: {  	s13 =	sor.u32 $0x380, s4;
	s4 =	sor.u32 $0x1380, s4;
	[dreg:$0x3] =	wrdreg s23;
	[tilespmem:s19+$0x3000] =	vst v2  }
0x1e8: {  	[smem:$0x744] =	sst s13;
	s10 =	sadd.s32 $0x20, s6;
	s22 =	sor.u32 $0x280, s9;
	v0 =	vmax.f32 v5, $-1.000000000e+00;
	[tilespmem:s13+$0x3000] =	vst v2  }
0x1e9: {  	[dreg:$0x13] =	wrdreg s4;
	s31 =	sor.u32 $0x200, s10;
	v1 =	vmin.f32 v0, $1.000000000e+00;
	[tilespmem:s22+$0x3000] =	vst v3;
	v2 =	vld [tilespmem:s28+$0x100]  }
0x1ea: {  	[smem:$0x73F] =	sst s0;
	s2 =	sor.u32 $0x280, s10;
	s14 =	sor.u32 $0x300, s9;
	[tilespmem:s31+$0x3000] =	vst v1  }
0x1eb: {  	s29 =	sor.u32 $0x1300, s10;
	[smem:$0x746] =	sst s2;
	[tilespmem:s14+$0x3000] =	vst v3  }
0x1ec: {  	s12 =	sadd.s32 $0x30, s6;
	s26 =	sor.u32 $0x380, s9;
	[dreg:$0xc] =	wrdreg s29;
	[tilespmem:s2+$0x3000] =	vst v1  }
0x1ed: {  	s1 =	sor.u32 $0x300, s10;
	s29 =	sor.u32 $0x1200, s12;
	[smem:$0x741] =	sst s7;
	[tilespmem:s26+$0x3000] =	vst v3  }
0x1ee: {  	s0 =	sor.u32 $0x380, s10;
	[dreg:$0x12] =	wrdreg s29;
	[tilespmem:s1+$0x3000] =	vst v1;
	v2 =	vmax.f32 v2, $-1.000000000e+00  }
0x1ef: {  	s8 =	sor.u32 $0x200, s12;
	s29 =	sor.u32 $0x1280, s12;
	s2 =	sld [smem:$0x73F];
	[tilespmem:s0+$0x3000] =	vst v1;
	v2 =	vmin.f32 v2, $1.000000000e+00  }
0x1f0: {  	s3 =	sor.u32 $0x300, s12;
	s7 =	sor.u32 $0x380, s12;
	[dreg:$0x7] =	wrdreg s29;
	[tilespmem:s28+$0x4000] =	vst v2  }
0x1f1: {  	s29 =	sor.u32 $0x1300, s12;
	s13 =	sor.u32 $0x280, s12;
	s12 =	sor.u32 $0x1380, s12;
	[tilespmem:s28+$0x4080] =	vst v2  }
0x1f2: {  	v0 =	vmax.f32 v6, $-1.000000000e+00;
	[dreg:$0x14] =	wrdreg s12;
	s12 =	sor.u32 $0x1180, s2;
	[tilespmem:s28+$0x4100] =	vst v2  }
0x1f3: {  	[smem:$0x740] =	sst s17;
	v6 =	vmin.f32 v0, $1.000000000e+00;
	[tilespmem:s12+$0x3000] =	vst v2  }
0x1f4: {  	[smem:$0x742] =	sst s19;
	[tilespmem:s11+$0x3000] =	vst v6;
	v59 =	vld [tilespmem:s15+$0x0]  }
0x1f5: {  	[smem:$0x743] =	sst s31;
	[tilespmem:s11+$0x3080] =	vst v6  }
0x1f6: {  	[smem:$0x74E] =	sst s1;
	v0 =	vmax.f32 v7, $-1.000000000e+00;
	[tilespmem:s11+$0x3100] =	vst v6  }
0x1f7: {  	[smem:$0x759] =	sst s0;
	v0 =	vmin.f32 v0, $1.000000000e+00;
	[tilespmem:s11+$0x3180] =	vst v6  }
0x1f8: {  	[smem:$0x752] =	sst s3;
	v1 =	vld [tilespmem:s30+$0x100];
	[tilespmem:s8+$0x3000] =	vst v0  }
0x1f9: {  	[smem:$0x745] =	sst s22;
	[tilespmem:s13+$0x3000] =	vst v0;
	v4 =	vmax.f32 v59, $-1.000000000e+00  }
0x1fa: {  	[smem:$0x74A] =	sst s14;
	v3 =	vld [tilespmem:s5+$0x100];
	[tilespmem:s3+$0x3000] =	vst v0;
	s15 =	sor.u32 $0x1200, s6;
	v4 =	vmin.f32 v4, $1.000000000e+00  }
0x1fb: {  	[smem:$0x753] =	sst s26;
	s1 =	sor.u32 $0x1280, s6;
	[tilespmem:s15+$0x3000] =	vst v4  }
0x1fc: {  	[smem:$0x75D] =	sst s7;
	s6 =	sor.u32 $0x1300, s6;
	[tilespmem:s1+$0x3000] =	vst v4  }
0x1fd: {  	s22 =	sor.u32 $0x1280, s9;
	[dreg:$0xf] =	wrdreg s29;
	v1 =	vmax.f32 v1, $-1.000000000e+00;
	[tilespmem:s6+$0x3000] =	vst v4  }
0x1fe: {  	[dreg:$0xb] =	wrdreg s22;
	s14 =	sor.u32 $0x1380, s9;
	v58 =	vld [tilespmem:s5+$0x180];
	v1 =	vmin.f32 v1, $1.000000000e+00;
	[tilespmem:s4+$0x3000] =	vst v4  }
0x1ff: {  	[dreg:$0x8] =	wrdreg s14;
	s26 =	sor.u32 $0x1280, s10;
	v3 =	vmax.f32 v3, $-1.000000000e+00;
	[tilespmem:s30+$0x4000] =	vst v1;
	v4 =	vld [tilespmem:s16+$0x0]  }
0x200: {  	[dreg:$0xe] =	wrdreg s26;
	[tilespmem:s7+$0x3000] =	vst v0;
	v2 =	vmin.f32 v3, $1.000000000e+00  }
0x201: {  	[dreg:$0x16] =	wrdreg s1;
	s17 =	sor.u32 $0x1200, s9;
	[tilespmem:s5+$0x4000] =	vst v2  }
0x202: {  	[dreg:$0xd] =	wrdreg s17;
	s19 =	sor.u32 $0x1300, s9;
	[tilespmem:s5+$0x4080] =	vst v2  }
0x203: {  	s9 =	sor.u32 $0x1200, s10;
	[dreg:$0x9] =	wrdreg s19;
	v3 =	vmax.f32 v58, $-1.000000000e+00;
	[tilespmem:s5+$0x4100] =	vst v2  }
0x204: {  	s10 =	sor.u32 $0x1380, s10;
	[dreg:$0x10] =	wrdreg s9;
	v3 =	vmin.f32 v3, $1.000000000e+00;
	[tilespmem:s5+$0x4180] =	vst v2;
	v4 =	vmax.f32 v4, $-1.000000000e+00  }
0x205: {  	[dreg:$0xa] =	wrdreg s10;
	[tilespmem:s17+$0x3000] =	vst v3;
	v4 =	vmin.f32 v4, $1.000000000e+00  }
0x206: {  	[smem:$0x750] =	sst s12;
	[tilespmem:s28+$0x5000] =	vst v4  }
0x207: {  	s12 =	sld [smem:$0x740];
	[tilespmem:s28+$0x5080] =	vst v4  }
0x208: {  	[smem:$0x748] =	sst s13;
	s7 =	sor.u32 $0x2180, s2;
	[tilespmem:s28+$0x5100] =	vst v4  }
0x209: {  	v60 =	vld [tilespmem:s30+$0x180];
	s13 =	sld [smem:$0x741];
	[tilespmem:s7+$0x3000] =	vst v4  }
0x20a: {  	p1 =	slt.u32 s23, $0x1C;
	[dreg:$0x11] =	wrdreg s7;
	[tilespmem:s22+$0x3000] =	vst v3;
	v4 =	vld [tilespmem:s12+$0x0]  }
0x20b: {  	s23 =	sor.u32 $0x5300, s25;
	s31 =	smov.u32 s28;
	[smem:$0x755] =	sst s15;
	[tilespmem:s19+$0x3000] =	vst v3  }
0x20c: {  	s0 =	sor.u32 s21, s23;
	[dreg:$0x15] =	wrdreg s6;
	[tilespmem:s14+$0x3000] =	vst v3;
	s14 =	sor.u32 $0x5200, s25  }
0x20d: {  	[tilespmem:s30+$0x4080] =	vst v1;
	s17 =	sor.u32 $0x5280, s25;
	v3 =	vld [tilespmem:s13+$0x0];
	s19 =	sor.u32 s24, s14;
	s13 =	sld [smem:$0x742]  }
0x20e: {  	v5 =	vmax.f32 v60, $-1.000000000e+00;
	[tilespmem:s30+$0x4100] =	vst v1;
	s22 =	sor.u32 s21, s17;
	s3 =	sor.u32 s20, s14;
	[smem:$0x747] =	sst s19  }
0x20f: {  	v5 =	vmin.f32 v5, $1.000000000e+00;
	[tilespmem:s30+$0x4180] =	vst v1;
	v0 =	vld [tilespmem:s11+$0x100];
	[smem:$0x74B] =	sst s3;
	s15 =	sor.u32 s21, s14;
	s4 =	sor.u32 s20, s23;
	v4 =	vmax.f32 v4, $-1.000000000e+00  }
0x210: {  	[tilespmem:s9+$0x3000] =	vst v5;
	s1 =	sor.u32 $0x5380, s25;
	[smem:$0x74C] =	sst s4;
	s28 =	sor.u32 s24, s17;
	v4 =	vmin.f32 v4, $1.000000000e+00  }
0x211: {  	s6 =	sor.u32 s20, s17;
	s17 =	sor.u32 s18, s17;
	[smem:$0x749] =	sst s28;
	[tilespmem:s15+$0x0] =	vst v4  }
0x212: {  	s3 =	sor.u32 $0x6000, s25;
	s7 =	sor.u32 s20, s1;
	[smem:$0x74F] =	sst s17;
	[tilespmem:s22+$0x0] =	vst v4  }
0x213: {  	s2 =	sor.u32 s21, s1;
	s17 =	sor.u32 s20, s3;
	[smem:$0x74D] =	sst s7;
	[tilespmem:s0+$0x0] =	vst v4  }
0x214: {  	v0 =	vmax.f32 v0, $-1.000000000e+00;
	s16 =	smov.u32 s5;
	[smem:$0x754] =	sst s17;
	[tilespmem:s2+$0x0] =	vst v4  }
0x215: {  	[tilespmem:s26+$0x3000] =	vst v5;
	v0 =	vmin.f32 v0, $1.000000000e+00;
	s5 =	sor.u32 s24, s1;
	s28 =	sor.u32 s18, s23;
	s17 =	rddreg [dreg:$0x7];
	v4 =	vld [tilespmem:s13+$0x0]  }
0x216: {  	[tilespmem:s11+$0x4000] =	vst v0;
	s15 =	sor.u32 s24, s23;
	s23 =	sor.u32 s18, s1;
	s1 =	rddreg [dreg:$0xc]  }
0x217: {  	[tilespmem:s1+$0x3000] =	vst v5;
	s1 =	sor.u32 $0x6100, s25;
	s2 =	sld [smem:$0x743]  }
0x218: {  	[tilespmem:s11+$0x4080] =	vst v0;
	[smem:$0x751] =	sst s23;
	s26 =	sor.u32 s20, s1  }
0x219: {  	s4 =	sor.u32 s21, s3;
	[tilespmem:s10+$0x3000] =	vst v5;
	s9 =	sor.u32 s21, s1;
	[smem:$0x757] =	sst s26  }
0x21a: {  	[tilespmem:s11+$0x4100] =	vst v0;
	s13 =	sor.u32 s24, s1;
	s1 =	sor.u32 s18, s1;
	v62 =	vld [tilespmem:s2+$0x0];
	s2 =	sor.u32 $0x6080, s25;
	v1 =	vmax.f32 v4, $-1.000000000e+00  }
0x21b: {  	[tilespmem:s11+$0x4180] =	vst v0;
	[smem:$0x75B] =	sst s1;
	s7 =	sor.u32 s21, s2;
	s23 =	sor.u32 s20, s2;
	v1 =	vmin.f32 v1, $1.000000000e+00  }
0x21c: {  	v61 =	vld [tilespmem:s11+$0x180];
	s19 =	sor.u32 s24, s2;
	s2 =	sor.u32 s18, s2;
	[smem:$0x756] =	sst s23;
	[tilespmem:s4+$0x0] =	vst v1  }
0x21d: {  	v3 =	vmax.f32 v3, $-1.000000000e+00;
	s12 =	sor.u32 s18, s14;
	s0 =	sor.u32 $0x6180, s25;
	[smem:$0x75A] =	sst s2;
	[tilespmem:s7+$0x0] =	vst v1  }
0x21e: {  	v3 =	vmin.f32 v3, $1.000000000e+00;
	s10 =	sor.u32 s21, s0;
	s2 =	sor.u32 $0x6280, s25;
	[tilespmem:s9+$0x0] =	vst v1;
	s9 =	sld [smem:$0x744]  }
0x21f: {  	[tilespmem:s16+$0x5000] =	vst v3;
	s14 =	sor.u32 s24, s0;
	s23 =	rddreg [dreg:$0x14];
	s1 =	sor.u32 s18, s2  }
0x220: {  	[smem:$0x766] =	sst s1;
	s7 =	sor.u32 s20, s0;
	s0 =	sor.u32 s18, s0;
	[tilespmem:s10+$0x0] =	vst v1  }
0x221: {  	v2 =	vmax.f32 v61, $-1.000000000e+00;
	[tilespmem:s16+$0x5080] =	vst v3;
	[smem:$0x75C] =	sst s0;
	v63 =	vld [tilespmem:s9+$0x0]  }
0x222: {  	v2 =	vmin.f32 v2, $1.000000000e+00;
	[tilespmem:s16+$0x5100] =	vst v3;
	s0 =	sor.u32 $0x6200, s25;
	s10 =	rddreg [dreg:$0x12]  }
0x223: {  	[smem:$0x758] =	sst s7;
	v1 =	vmax.f32 v62, $-1.000000000e+00;
	s7 =	sor.u32 s24, s0;
	[tilespmem:s10+$0x3000] =	vst v2  }
0x224: {  	s22 =	sor.u32 s24, s3;
	s4 =	sor.u32 s18, s3;
	v1 =	vmin.f32 v1, $1.000000000e+00;
	[smem:$0x75E] =	sst s7;
	[tilespmem:s17+$0x3000] =	vst v2  }
0x225: {  	s3 =	sor.u32 $0x6300, s25;
	s7 =	sld [smem:$0x745];
	s9 =	sor.u32 s24, s2;
	[tilespmem:s30+$0x5000] =	vst v1  }
0x226: {  	s26 =	sor.u32 s21, s0;
	s17 =	sor.u32 s24, s3;
	[tilespmem:s29+$0x3000] =	vst v2;
	[smem:$0x75F] =	sst s9;
	v0 =	vmax.f32 v63, $-1.000000000e+00  }
0x227: {  	s10 =	sor.u32 s21, s3;
	[smem:$0x760] =	sst s17;
	s9 =	sor.u32 s20, s2;
	[tilespmem:s23+$0x3000] =	vst v2;
	v0 =	vmin.f32 v0, $1.000000000e+00  }
0x228: {  	[smem:$0x762] =	sst s9;
	v2 =	vld [tilespmem:s8+$0x0];
	s8 =	sor.u32 s21, s2;
	s2 =	sor.u32 s18, s3;
	[tilespmem:s26+$0x0] =	vst v0  }
0x229: {  	s23 =	sor.u32 $0x6380, s25;
	[smem:$0x767] =	sst s2;
	[tilespmem:s8+$0x0] =	vst v0;
	s8 =	sor.u32 s20, s0  }
0x22a: {  	s26 =	sor.u32 s21, s23;
	s0 =	sor.u32 s18, s0;
	[tilespmem:s10+$0x0] =	vst v0;
	[smem:$0x761] =	sst s8  }
0x22b: {  	s10 =	sor.u32 s20, s3;
	[smem:$0x765] =	sst s0;
	[tilespmem:s26+$0x0] =	vst v0  }
0x22c: {  	[tilespmem:s30+$0x5080] =	vst v1;
	s3 =	sor.u32 s18, s23;
	[smem:$0x763] =	sst s10;
	v0 =	vld [tilespmem:s31+$0x1000]  }
0x22d: {  	[tilespmem:s30+$0x5100] =	vst v1;
	s17 =	sor.u32 s24, s23;
	s26 =	sor.u32 s20, s23;
	[smem:$0x768] =	sst s3  }
0x22e: {  	[tilespmem:s30+$0x5180] =	vst v1;
	s3 =	sor.u32 $0x7080, s25;
	s10 =	smov.u32 s30;
	s30 =	sld [smem:$0x746]  }
0x22f: {  	[tilespmem:s16+$0x5180] =	vst v3;
	s23 =	sor.u32 $0x7100, s25;
	[smem:$0x764] =	sst s26;
	s26 =	sor.u32 s24, s3  }
0x230: {  	v3 =	vld [tilespmem:s7+$0x0];
	s0 =	sor.u32 $0x7000, s25;
	s7 =	sor.u32 s20, s23;
	[smem:$0x769] =	sst s26  }
0x231: {  	s8 =	sor.u32 s21, s0;
	[smem:$0x76D] =	sst s7;
	v0 =	vmax.f32 v0, $-1.000000000e+00  }
0x232: {  	s9 =	sor.u32 s21, s3;
	s26 =	sor.u32 $0x7180, s25;
	s7 =	sld [smem:$0x748];
	v0 =	vmin.f32 v0, $1.000000000e+00  }
0x233: {  	v1 =	vld [tilespmem:s30+$0x0];
	s30 =	sor.u32 s24, s23;
	[tilespmem:s8+$0x0] =	vst v0;
	s8 =	sor.u32 s21, s23;
	s23 =	sor.u32 s18, s23  }
0x234: {  	[tilespmem:s9+$0x0] =	vst v0;
	s9 =	sor.u32 s24, s26;
	[smem:$0x771] =	sst s23  }
0x235: {  	[tilespmem:s8+$0x0] =	vst v0;
	[smem:$0x76A] =	sst s9;
	s8 =	sor.u32 s20, s0  }
0x236: {  	v2 =	vmax.f32 v2, $-1.000000000e+00;
	s9 =	sor.u32 s20, s3;
	[smem:$0x76B] =	sst s8  }
0x237: {  	v2 =	vmin.f32 v2, $1.000000000e+00;
	s1 =	sor.u32 s21, s26;
	[smem:$0x76C] =	sst s9  }
0x238: {  	[tilespmem:s11+$0x5000] =	vst v2;
	s8 =	sor.u32 s20, s26;
	s9 =	sor.u32 s18, s3;
	s3 =	sld [smem:$0x747]  }
0x239: {  	[tilespmem:s1+$0x0] =	vst v0;
	[smem:$0x76E] =	sst s8  }
0x23a: {  	v3 =	vmax.f32 v3, $-1.000000000e+00;
	s2 =	sor.u32 s24, s0;
	[tilespmem:s11+$0x5080] =	vst v2;
	s0 =	sor.u32 s18, s0;
	v0 =	vld [tilespmem:s31+$0x1080];
	s8 =	sld [smem:$0x749]  }
0x23b: {  	v3 =	vmin.f32 v3, $1.000000000e+00;
	[tilespmem:s11+$0x5100] =	vst v2;
	[smem:$0x76F] =	sst s0  }
0x23c: {  	s1 =	sor.u32 s18, s26;
	[smem:$0x770] =	sst s9;
	[tilespmem:s3+$0x0] =	vst v3;
	s3 =	sor.u32 $0x7280, s25  }
0x23d: {  	s0 =	sor.u32 $0x7200, s25;
	[smem:$0x772] =	sst s1;
	[tilespmem:s8+$0x0] =	vst v3;
	s26 =	sor.u32 s24, s3  }
0x23e: {  	[tilespmem:s15+$0x0] =	vst v3;
	s15 =	sor.u32 s24, s0;
	[smem:$0x774] =	sst s26  }
0x23f: {  	[tilespmem:s11+$0x5180] =	vst v2;
	s9 =	sor.u32 s21, s0;
	s26 =	sor.u32 s20, s0;
	v0 =	vmax.f32 v0, $-1.000000000e+00;
	[smem:$0x773] =	sst s15  }
0x240: {  	s23 =	sor.u32 s21, s3;
	s0 =	sor.u32 s18, s0;
	[smem:$0x776] =	sst s26;
	[tilespmem:s5+$0x0] =	vst v3;
	v0 =	vmin.f32 v0, $1.000000000e+00  }
0x241: {  	v2 =	vld [tilespmem:s7+$0x0];
	s8 =	sor.u32 $0x7300, s25;
	[smem:$0x77A] =	sst s0;
	[tilespmem:s9+$0x0] =	vst v0;
	s9 =	sor.u32 $0x7380, s25  }
0x242: {  	s7 =	sor.u32 s21, s8;
	s5 =	sld [smem:$0x74A];
	[tilespmem:s23+$0x0] =	vst v0;
	s15 =	sor.u32 s24, s9  }
0x243: {  	[tilespmem:s7+$0x0] =	vst v0;
	[smem:$0x775] =	sst s15;
	s7 =	sor.u32 s20, s3  }
0x244: {  	[smem:$0x777] =	sst s7  }
0x245: {  	s1 =	sor.u32 s21, s9;
	s15 =	sor.u32 s20, s8;
	s7 =	sld [smem:$0x74B]  }
0x246: {  	v1 =	vmax.f32 v1, $-1.000000000e+00;
	v2 =	vmax.f32 v2, $-1.000000000e+00;
	s23 =	sor.u32 s24, s8;
	v3 =	vld [tilespmem:s5+$0x0];
	[tilespmem:s1+$0x0] =	vst v0;
	[smem:$0x778] =	sst s15  }
0x247: {  	v1 =	vmin.f32 v1, $1.000000000e+00;
	v0 =	vmin.f32 v2, $1.000000000e+00;
	s1 =	sor.u32 s18, s3;
	s3 =	sor.u32 s18, s8;
	s8 =	sld [smem:$0x74C];
	v2 =	vld [tilespmem:s31+$0x1100]  }
0x248: {  	s26 =	sor.u32 s20, s9;
	[tilespmem:s7+$0x0] =	vst v1;
	s7 =	sor.u32 s18, s9;
	s9 =	sld [smem:$0x74D]  }
0x249: {  	s15 =	sld [smem:$0x74E];
	[tilespmem:s6+$0x0] =	vst v1  }
0x24a: {  	[smem:$0x779] =	sst s26;
	[tilespmem:s8+$0x0] =	vst v1  }
0x24b: {  	s0 =	sor.u32 $0x8000, s25;
	[smem:$0x77B] =	sst s1;
	v3 =	vmax.f32 v3, $-1.000000000e+00;
	[tilespmem:s9+$0x0] =	vst v1  }
0x24c: {  	[smem:$0x77C] =	sst s3;
	s6 =	sor.u32 s24, s0;
	v3 =	vmin.f32 v3, $1.000000000e+00;
	v1 =	vmax.f32 v2, $-1.000000000e+00;
	v2 =	vld [tilespmem:s15+$0x0];
	[tilespmem:s12+$0x0] =	vst v0  }
0x24d: {  	s26 =	sor.u32 s21, s0;
	s3 =	sor.u32 $0x8080, s25;
	v1 =	vmin.f32 v1, $1.000000000e+00;
	[smem:$0x77D] =	sst s6;
	[tilespmem:s22+$0x0] =	vst v3  }
0x24e: {  	s5 =	sor.u32 $0x8100, s25;
	s12 =	sor.u32 s24, s3;
	s8 =	sld [smem:$0x74F];
	[tilespmem:s26+$0x0] =	vst v1  }
0x24f: {  	s9 =	sor.u32 s21, s3;
	[smem:$0x77E] =	sst s12;
	s26 =	sor.u32 s24, s5;
	[tilespmem:s19+$0x0] =	vst v3  }
0x250: {  	[tilespmem:s9+$0x0] =	vst v1;
	[smem:$0x77F] =	sst s26  }
0x251: {  	s15 =	sor.u32 s21, s5;
	s6 =	sor.u32 $0x8180, s25;
	s26 =	sld [smem:$0x750];
	[tilespmem:s13+$0x0] =	vst v3  }
0x252: {  	s12 =	sor.u32 s20, s0;
	s22 =	sld [smem:$0x753];
	s9 =	sor.u32 s21, s6;
	[tilespmem:s15+$0x0] =	vst v1  }
0x253: {  	s0 =	sor.u32 s18, s0;
	[smem:$0x780] =	sst s12;
	[tilespmem:s9+$0x0] =	vst v1  }
0x254: {  	s12 =	sor.u32 s20, s5;
	[tilespmem:s14+$0x0] =	vst v3;
	v1 =	vmax.f32 v2, $-1.000000000e+00;
	v2 =	vld [tilespmem:s26+$0x0];
	s26 =	sor.u32 s18, s5;
	s5 =	sld [smem:$0x751]  }
0x255: {  	[smem:$0x782] =	sst s0;
	s0 =	sor.u32 $0x8200, s25;
	s15 =	sor.u32 s20, s3;
	[tilespmem:s8+$0x0] =	vst v0  }
0x256: {  	s29 =	sor.u32 s24, s6;
	s19 =	sor.u32 s21, s0;
	[smem:$0x781] =	sst s15;
	[tilespmem:s28+$0x0] =	vst v0  }
0x257: {  	s15 =	sor.u32 s20, s6;
	s8 =	sld [smem:$0x752];
	[tilespmem:s5+$0x0] =	vst v0;
	s5 =	sor.u32 $0x8300, s25  }
0x258: {  	s9 =	sor.u32 s18, s6;
	v3 =	vld [tilespmem:s22+$0x0];
	s6 =	sld [smem:$0x754];
	s22 =	sor.u32 s24, s5  }
0x259: {  	s14 =	sor.u32 s24, s0;
	[dreg:$0x1c] =	wrdreg s22;
	s22 =	sor.u32 s20, s0  }
0x25a: {  	s28 =	sor.u32 s18, s3;
	s0 =	sor.u32 s18, s0;
	[dreg:$0x1a] =	wrdreg s22  }
0x25b: {  	s3 =	sor.u32 $0x8280, s25;
	v1 =	vmin.f32 v1, $1.000000000e+00;
	v2 =	vmax.f32 v2, $-1.000000000e+00;
	s22 =	sor.u32 s20, s5;
	[dreg:$0x1e] =	wrdreg s0  }
0x25c: {  	[tilespmem:s6+$0x0] =	vst v1;
	s6 =	sor.u32 $0x8380, s25;
	v0 =	vld [tilespmem:s8+$0x0];
	s8 =	sor.u32 s21, s3;
	v2 =	vmin.f32 v2, $1.000000000e+00;
	[dreg:$0x1b] =	wrdreg s22  }
0x25d: {  	s13 =	sor.u32 s21, s5;
	s5 =	sor.u32 s18, s5;
	[tilespmem:s19+$0x0] =	vst v2;
	s22 =	sld [smem:$0x756]  }
0x25e: {  	[smem:$0x783] =	sst s5;
	[tilespmem:s8+$0x0] =	vst v2;
	s8 =	sor.u32 s20, s6  }
0x25f: {  	[dreg:$0x17] =	wrdreg s8  }
0x260: {  	[tilespmem:s13+$0x0] =	vst v2;
	s13 =	sor.u32 s24, s6;
	s8 =	sld [smem:$0x757]  }
0x261: {  	[dreg:$0x1f] =	wrdreg s13  }
0x262: {  	s1 =	sor.u32 s21, s6;
	[tilespmem:s22+$0x0] =	vst v1;
	s22 =	sld [smem:$0x758]  }
0x263: {  	[tilespmem:s1+$0x0] =	vst v2;
	s13 =	sor.u32 s20, s3;
	s1 =	sld [smem:$0x759]  }
0x264: {  	[dreg:$0x1d] =	wrdreg s13  }
0x265: {  	s19 =	sor.u32 s24, s3;
	s3 =	sor.u32 s18, s3;
	s13 =	sld [smem:$0x755]  }
0x266: {  	v0 =	vmax.f32 v0, $-1.000000000e+00;
	[dreg:$0x18] =	wrdreg s3  }
0x267: {  	v0 =	vmin.f32 v0, $1.000000000e+00;
	s3 =	sld [smem:$0x75A]  }
0x268: {  	s0 =	sor.u32 $0x9000, s25;
	[tilespmem:s4+$0x0] =	vst v0;
	s4 =	sld [smem:$0x75B];
	v2 =	vld [tilespmem:s13+$0x0]  }
0x269: {  	[tilespmem:s8+$0x0] =	vst v1;
	s8 =	sld [smem:$0x75C];
	s13 =	sor.u32 s18, s6;
	s6 =	sor.u32 s24, s0  }
0x26a: {  	[tilespmem:s22+$0x0] =	vst v1;
	[smem:$0x784] =	sst s6  }
0x26b: {  	[tilespmem:s3+$0x0] =	vst v0;
	s6 =	sld [smem:$0x75D]  }
0x26c: {  	s5 =	sor.u32 s21, s0;
	v1 =	vld [tilespmem:s1+$0x0];
	s3 =	sor.u32 $0x9080, s25;
	s1 =	sld [smem:$0x760];
	[tilespmem:s4+$0x0] =	vst v0  }
0x26d: {  	[dreg:$0x19] =	wrdreg s13;
	s4 =	sor.u32 $0x9100, s25;
	s22 =	sor.u32 s24, s3;
	[tilespmem:s8+$0x0] =	vst v0;
	v2 =	vmax.f32 v2, $-1.000000000e+00  }
0x26e: {  	s13 =	sor.u32 s21, s3;
	[smem:$0x785] =	sst s22;
	v0 =	vld [tilespmem:s6+$0x0];
	s6 =	sor.u32 s20, s4;
	v2 =	vmin.f32 v2, $1.000000000e+00  }
0x26f: {  	s8 =	sor.u32 s21, s4;
	[smem:$0x78A] =	sst s6;
	s6 =	sor.u32 s18, s3;
	[tilespmem:s5+$0x0] =	vst v2  }
0x270: {  	[smem:$0x78D] =	sst s6;
	s5 =	sor.u32 $0x9180, s25;
	[tilespmem:s13+$0x0] =	vst v2;
	s13 =	sor.u32 s24, s4  }
0x271: {  	[smem:$0x786] =	sst s13;
	[tilespmem:s8+$0x0] =	vst v2;
	s8 =	sor.u32 s24, s5  }
0x272: {  	s13 =	sor.u32 s20, s0;
	[smem:$0x787] =	sst s8  }
0x273: {  	[smem:$0x788] =	sst s13  }
0x274: {  	s0 =	sor.u32 s18, s0;
	s13 =	rddreg [dreg:$0x16]  }
0x275: {  	s22 =	sor.u32 s21, s5;
	[smem:$0x78C] =	sst s0  }
0x276: {  	[tilespmem:s22+$0x0] =	vst v2;
	s22 =	sor.u32 s20, s3;
	s3 =	sld [smem:$0x761]  }
0x277: {  	s8 =	sor.u32 s20, s5;
	[smem:$0x789] =	sst s22  }
0x278: {  	[smem:$0x78B] =	sst s8  }
0x279: {  	s22 =	sld [smem:$0x75E]  }
0x27a: {  	v2 =	vld [tilespmem:s13+$0x0];
	s13 =	sld [smem:$0x75F]  }
0x27b: {  	v1 =	vmax.f32 v1, $-1.000000000e+00;
	s0 =	sor.u32 $0x9200, s25;
	s8 =	sor.u32 s18, s4;
	s4 =	sld [smem:$0x762]  }
0x27c: {  	v3 =	vmax.f32 v3, $-1.000000000e+00;
	v1 =	vmin.f32 v1, $1.000000000e+00;
	s6 =	sor.u32 s24, s0;
	[smem:$0x78E] =	sst s8  }
0x27d: {  	v3 =	vmin.f32 v3, $1.000000000e+00;
	[smem:$0x790] =	sst s6;
	[tilespmem:s3+$0x0] =	vst v1  }
0x27e: {  	s8 =	sld [smem:$0x763];
	s3 =	sor.u32 $0x9280, s25;
	[tilespmem:s22+$0x0] =	vst v3;
	s22 =	sor.u32 s18, s5  }
0x27f: {  	s6 =	sor.u32 s20, s3;
	[smem:$0x78F] =	sst s22  }
0x280: {  	[tilespmem:s4+$0x0] =	vst v1;
	s4 =	sor.u32 $0x9300, s25;
	[smem:$0x795] =	sst s6  }
0x281: {  	[tilespmem:s8+$0x0] =	vst v1;
	s8 =	sor.u32 s24, s4;
	s6 =	sld [smem:$0x766]  }
0x282: {  	[tilespmem:s13+$0x0] =	vst v3;
	[smem:$0x792] =	sst s8;
	s8 =	sor.u32 s20, s4  }
0x283: {  	[tilespmem:s1+$0x0] =	vst v3;
	s1 =	sor.u32 s18, s3;
	[smem:$0x796] =	sst s8  }
0x284: {  	s13 =	sor.u32 s21, s3;
	s22 =	sor.u32 s21, s4;
	[smem:$0x799] =	sst s1  }
0x285: {  	v2 =	vmax.f32 v2, $-1.000000000e+00;
	[tilespmem:s17+$0x0] =	vst v3;
	s17 =	sor.u32 s24, s3;
	s3 =	sor.u32 s18, s4;
	s4 =	sld [smem:$0x765]  }
0x286: {  	s5 =	sor.u32 s21, s0;
	v2 =	vmin.f32 v2, $1.000000000e+00;
	s8 =	sld [smem:$0x767]  }
0x287: {  	[tilespmem:s5+$0x0] =	vst v2;
	[smem:$0x791] =	sst s17;
	s5 =	sor.u32 $0x9380, s25  }
0x288: {  	[smem:$0x79A] =	sst s3;
	s17 =	sor.u32 s24, s5  }
0x289: {  	[tilespmem:s13+$0x0] =	vst v2;
	[smem:$0x793] =	sst s17  }
0x28a: {  	[tilespmem:s22+$0x0] =	vst v2;
	s22 =	sor.u32 s20, s0;
	s17 =	rddreg [dreg:$0x15]  }
0x28b: {  	v0 =	vmax.f32 v0, $-1.000000000e+00;
	v3 =	vld [tilespmem:s16+$0x1000];
	s13 =	sor.u32 s21, s5;
	[smem:$0x794] =	sst s22  }
0x28c: {  	v0 =	vmin.f32 v0, $1.000000000e+00;
	[tilespmem:s13+$0x0] =	vst v2;
	s13 =	sor.u32 s20, s5;
	s22 =	sld [smem:$0x764]  }
0x28d: {  	[tilespmem:s4+$0x0] =	vst v0;
	[smem:$0x797] =	sst s13  }
0x28e: {  	s0 =	sor.u32 s18, s0;
	[tilespmem:s6+$0x0] =	vst v0;
	s13 =	sld [smem:$0x768]  }
0x28f: {  	[smem:$0x798] =	sst s0;
	s5 =	sor.u32 s18, s5;
	s0 =	sor.u32 $0xA000, s25;
	[tilespmem:s8+$0x0] =	vst v0  }
0x290: {  	[smem:$0x79B] =	sst s5;
	s4 =	sor.u32 s24, s0;
	v3 =	vmax.f32 v3, $-1.000000000e+00;
	[tilespmem:s22+$0x0] =	vst v1  }
0x291: {  	s3 =	sor.u32 $0xA100, s25;
	[smem:$0x79C] =	sst s4;
	v2 =	vmin.f32 v3, $1.000000000e+00;
	[tilespmem:s13+$0x0] =	vst v0  }
0x292: {  	s22 =	sld [smem:$0x769];
	[tilespmem:s2+$0x0] =	vst v2;
	s2 =	sor.u32 $0xA080, s25;
	s13 =	sor.u32 s24, s3  }
0x293: {  	s6 =	sor.u32 s24, s2;
	[smem:$0x79E] =	sst s13  }
0x294: {  	s13 =	sor.u32 s20, s3;
	[smem:$0x79D] =	sst s6  }
0x295: {  	s1 =	sor.u32 s18, s2;
	[smem:$0x7A2] =	sst s13  }
0x296: {  	[smem:$0x7A5] =	sst s1  }
0x297: {  	s4 =	sor.u32 $0xA180, s25;
	v3 =	vld [tilespmem:s17+$0x0];
	s13 =	sld [smem:$0x76D]  }
0x298: {  	[tilespmem:s22+$0x0] =	vst v2;
	s22 =	sor.u32 s24, s4;
	s1 =	sld [smem:$0x771]  }
0x299: {  	s6 =	sor.u32 s20, s0;
	[smem:$0x79F] =	sst s22  }
0x29a: {  	[smem:$0x7A0] =	sst s6  }
0x29b: {  	s17 =	sor.u32 s21, s0;
	s0 =	sor.u32 s18, s0;
	s22 =	rddreg [dreg:$0x13]  }
0x29c: {  	[smem:$0x7A4] =	sst s0;
	s0 =	sor.u32 $0xA200, s25;
	v0 =	vmax.f32 v3, $-1.000000000e+00  }
0x29d: {  	[tilespmem:s30+$0x0] =	vst v2;
	s6 =	sld [smem:$0x76B];
	s30 =	sor.u32 s24, s0;
	v0 =	vmin.f32 v0, $1.000000000e+00  }
0x29e: {  	s5 =	sor.u32 s21, s2;
	[smem:$0x7A8] =	sst s30;
	s30 =	sor.u32 s20, s0;
	[tilespmem:s17+$0x0] =	vst v0  }
0x29f: {  	s8 =	sor.u32 s21, s3;
	[smem:$0x7AC] =	sst s30;
	[tilespmem:s5+$0x0] =	vst v0;
	s5 =	sor.u32 s18, s4  }
0x2a0: {  	v1 =	vld [tilespmem:s10+$0x1000];
	[tilespmem:s8+$0x0] =	vst v0;
	s8 =	sor.u32 s20, s2;
	s2 =	sor.u32 s18, s3;
	s3 =	sld [smem:$0x76A]  }
0x2a1: {  	[smem:$0x7A7] =	sst s5  }
0x2a2: {  	[smem:$0x7A1] =	sst s8  }
0x2a3: {  	v3 =	vld [tilespmem:s11+$0x1000];
	[smem:$0x7A6] =	sst s2  }
0x2a4: {  	s17 =	sor.u32 s21, s4;
	s8 =	sld [smem:$0x76C]  }
0x2a5: {  	v1 =	vmax.f32 v1, $-1.000000000e+00;
	[tilespmem:s17+$0x0] =	vst v0;
	s17 =	sor.u32 s20, s4;
	s4 =	sld [smem:$0x76F]  }
0x2a6: {  	v1 =	vmin.f32 v1, $1.000000000e+00;
	s2 =	sor.u32 $0xA280, s25;
	[smem:$0x7A3] =	sst s17  }
0x2a7: {  	[tilespmem:s6+$0x0] =	vst v1;
	s17 =	sld [smem:$0x76E];
	s6 =	sor.u32 s24, s2  }
0x2a8: {  	v0 =	vmax.f32 v3, $-1.000000000e+00;
	v3 =	vld [tilespmem:s22+$0x0];
	s22 =	sor.u32 s21, s0;
	s0 =	sor.u32 s18, s0;
	[tilespmem:s3+$0x0] =	vst v2;
	[smem:$0x7A9] =	sst s6  }
0x2a9: {  	v0 =	vmin.f32 v0, $1.000000000e+00;
	s3 =	sor.u32 $0xA300, s25;
	s6 =	sor.u32 s20, s2;
	[smem:$0x7B0] =	sst s0;
	[tilespmem:s8+$0x0] =	vst v1  }
0x2aa: {  	[tilespmem:s4+$0x0] =	vst v0;
	[smem:$0x7AD] =	sst s6;
	s30 =	sor.u32 s18, s3  }
0x2ab: {  	s4 =	sor.u32 $0xA380, s25;
	[tilespmem:s13+$0x0] =	vst v1;
	s13 =	sor.u32 s24, s3;
	[smem:$0x7B2] =	sst s30  }
0x2ac: {  	s0 =	sor.u32 $0xB000, s25;
	[smem:$0x7AA] =	sst s13;
	s13 =	sor.u32 s20, s4  }
0x2ad: {  	[smem:$0x7AF] =	sst s13;
	s13 =	sor.u32 s24, s0  }
0x2ae: {  	[smem:$0x7B4] =	sst s13;
	s13 =	sor.u32 s20, s0  }
0x2af: {  	s6 =	sor.u32 s21, s0;
	v3 =	vmax.f32 v3, $-1.000000000e+00;
	s0 =	sor.u32 s18, s0;
	[smem:$0x7B8] =	sst s13  }
0x2b0: {  	v2 =	vld [tilespmem:s16+$0x1080];
	[tilespmem:s17+$0x0] =	vst v1;
	v1 =	vmin.f32 v3, $1.000000000e+00;
	[smem:$0x7BC] =	sst s0  }
0x2b1: {  	[tilespmem:s22+$0x0] =	vst v1;
	s22 =	sor.u32 s24, s4;
	s13 =	sld [smem:$0x778]  }
0x2b2: {  	s5 =	sor.u32 s21, s2;
	s17 =	sor.u32 s21, s4;
	[smem:$0x7AB] =	sst s22  }
0x2b3: {  	s22 =	sor.u32 s18, s2;
	s2 =	sor.u32 s18, s4;
	s4 =	sld [smem:$0x773]  }
0x2b4: {  	s8 =	sor.u32 s21, s3;
	[tilespmem:s5+$0x0] =	vst v1;
	s5 =	sld [smem:$0x774]  }
0x2b5: {  	v2 =	vmax.f32 v2, $-1.000000000e+00;
	[tilespmem:s8+$0x0] =	vst v1;
	[smem:$0x7B1] =	sst s22  }
0x2b6: {  	v2 =	vmin.f32 v2, $1.000000000e+00;
	[tilespmem:s17+$0x0] =	vst v1;
	s17 =	sld [smem:$0x770]  }
0x2b7: {  	s8 =	sor.u32 s20, s3;
	[smem:$0x7B3] =	sst s2;
	[tilespmem:s4+$0x0] =	vst v2  }
0x2b8: {  	[smem:$0x7AE] =	sst s8;
	[tilespmem:s5+$0x0] =	vst v2  }
0x2b9: {  	s2 =	sor.u32 $0xB080, s25;
	s8 =	sld [smem:$0x775];
	[tilespmem:s17+$0x0] =	vst v0  }
0x2ba: {  	s3 =	sld [smem:$0x772];
	s22 =	sor.u32 s24, s2;
	[tilespmem:s23+$0x0] =	vst v2  }
0x2bb: {  	[smem:$0x7B5] =	sst s22;
	s4 =	sor.u32 $0xB180, s25;
	[tilespmem:s1+$0x0] =	vst v0  }
0x2bc: {  	v1 =	vld [tilespmem:s31+$0x2000];
	[tilespmem:s8+$0x0] =	vst v2;
	s8 =	sor.u32 s24, s4;
	s1 =	sld [smem:$0x77E]  }
0x2bd: {  	[tilespmem:s3+$0x0] =	vst v0;
	s3 =	sor.u32 $0xB100, s25;
	[smem:$0x7B7] =	sst s8;
	s8 =	sor.u32 s18, s4  }
0x2be: {  	s30 =	sor.u32 s24, s3;
	[smem:$0x7BF] =	sst s8  }
0x2bf: {  	s22 =	sor.u32 s20, s3;
	[smem:$0x7B6] =	sst s30  }
0x2c0: {  	[smem:$0x7BA] =	sst s22  }
0x2c1: {  	v3 =	vld [tilespmem:s10+$0x1080];
	v1 =	vmax.f32 v1, $-1.000000000e+00;
	s5 =	sor.u32 s18, s3;
	s30 =	sld [smem:$0x776]  }
0x2c2: {  	v0 =	vld [tilespmem:s11+$0x1080];
	v1 =	vmin.f32 v1, $1.000000000e+00;
	[smem:$0x7BE] =	sst s5  }
0x2c3: {  	s17 =	sor.u32 s21, s2;
	s22 =	sld [smem:$0x77A];
	[tilespmem:s6+$0x0] =	vst v1  }
0x2c4: {  	s23 =	sor.u32 s21, s3;
	s5 =	sld [smem:$0x77C];
	[tilespmem:s17+$0x0] =	vst v1;
	s17 =	sor.u32 s20, s2  }
0x2c5: {  	[tilespmem:s23+$0x0] =	vst v1;
	[smem:$0x7B9] =	sst s17;
	s23 =	sor.u32 s20, s4  }
0x2c6: {  	v3 =	vmax.f32 v3, $-1.000000000e+00;
	s6 =	sor.u32 s21, s4;
	[smem:$0x7BB] =	sst s23  }
0x2c7: {  	v3 =	vmin.f32 v3, $1.000000000e+00;
	v0 =	vmax.f32 v0, $-1.000000000e+00;
	[tilespmem:s6+$0x0] =	vst v1;
	s6 =	sld [smem:$0x777]  }
0x2c8: {  	s2 =	sor.u32 s18, s2;
	[tilespmem:s30+$0x0] =	vst v3;
	s23 =	sld [smem:$0x77B];
	v0 =	vmin.f32 v0, $1.000000000e+00  }
0x2c9: {  	s0 =	sor.u32 $0xB200, s25;
	[smem:$0x7BD] =	sst s2;
	v1 =	vld [tilespmem:s31+$0x2080];
	[tilespmem:s22+$0x0] =	vst v0  }
0x2ca: {  	s17 =	sld [smem:$0x779];
	s2 =	sor.u32 $0xB280, s25;
	s4 =	sor.u32 s24, s0;
	[tilespmem:s6+$0x0] =	vst v3  }
0x2cb: {  	s3 =	sor.u32 $0xB300, s25;
	[smem:$0x7C0] =	sst s4;
	s8 =	sor.u32 s24, s2;
	[tilespmem:s23+$0x0] =	vst v0  }
0x2cc: {  	s4 =	sor.u32 $0xB380, s25;
	[smem:$0x7C1] =	sst s8;
	s8 =	sor.u32 s20, s3;
	[tilespmem:s13+$0x0] =	vst v3  }
0x2cd: {  	v2 =	vld [tilespmem:s16+$0x1100];
	[smem:$0x7C6] =	sst s8;
	s23 =	sor.u32 s24, s4;
	[tilespmem:s17+$0x0] =	vst v3  }
0x2ce: {  	[tilespmem:s5+$0x0] =	vst v0;
	[smem:$0x7C3] =	sst s23;
	v3 =	vld [tilespmem:s10+$0x1100];
	v1 =	vmax.f32 v1, $-1.000000000e+00  }
0x2cf: {  	s30 =	sor.u32 s21, s0;
	s23 =	sld [smem:$0x77D];
	s17 =	sor.u32 s24, s3;
	[tilespmem:s7+$0x0] =	vst v0;
	v1 =	vmin.f32 v1, $1.000000000e+00  }
0x2d0: {  	s6 =	sor.u32 s21, s2;
	[smem:$0x7C2] =	sst s17;
	s17 =	sor.u32 s18, s2;
	[tilespmem:s30+$0x0] =	vst v1  }
0x2d1: {  	s13 =	sor.u32 s21, s3;
	[smem:$0x7C9] =	sst s17;
	s30 =	sor.u32 s20, s0;
	[tilespmem:s6+$0x0] =	vst v1  }
0x2d2: {  	v2 =	vmax.f32 v2, $-1.000000000e+00;
	s22 =	sor.u32 s21, s4;
	[smem:$0x7C4] =	sst s30;
	[tilespmem:s13+$0x0] =	vst v1  }
0x2d3: {  	v2 =	vmin.f32 v2, $1.000000000e+00;
	s6 =	sor.u32 s20, s2;
	s2 =	sld [smem:$0x77F];
	s13 =	sor.u32 s20, s4;
	v3 =	vmax.f32 v3, $-1.000000000e+00;
	[tilespmem:s22+$0x0] =	vst v1  }
0x2d4: {  	[tilespmem:s23+$0x0] =	vst v2;
	[smem:$0x7C7] =	sst s13;
	v1 =	vmin.f32 v3, $1.000000000e+00;
	v3 =	vld [tilespmem:s31+$0x2100]  }
0x2d5: {  	[tilespmem:s1+$0x0] =	vst v2;
	s22 =	sor.u32 s18, s3;
	s3 =	sld [smem:$0x780]  }
0x2d6: {  	s5 =	sor.u32 $0xC080, s25;
	s0 =	sor.u32 s18, s0;
	s13 =	sld [smem:$0x781];
	[tilespmem:s2+$0x0] =	vst v2  }
0x2d7: {  	s17 =	sor.u32 s21, s5;
	s23 =	sor.u32 s24, s5;
	[smem:$0x7C8] =	sst s0;
	[tilespmem:s29+$0x0] =	vst v2  }
0x2d8: {  	s30 =	sor.u32 s18, s4;
	s0 =	sor.u32 $0xC000, s25;
	[smem:$0x7C5] =	sst s6;
	[tilespmem:s3+$0x0] =	vst v1  }
0x2d9: {  	v0 =	vld [tilespmem:s11+$0x1100];
	s1 =	sor.u32 s20, s5;
	[smem:$0x7CB] =	sst s30;
	s8 =	sor.u32 s24, s0;
	[tilespmem:s13+$0x0] =	vst v1;
	v2 =	vmax.f32 v3, $-1.000000000e+00  }
0x2da: {  	s4 =	sor.u32 s21, s0;
	s6 =	sor.u32 $0xC180, s25;
	[smem:$0x7CC] =	sst s8;
	[tilespmem:s12+$0x0] =	vst v1;
	v3 =	vld [tilespmem:s16+$0x1180];
	v2 =	vmin.f32 v2, $1.000000000e+00  }
0x2db: {  	s8 =	sor.u32 s21, s6;
	[smem:$0x7CA] =	sst s22;
	s22 =	sor.u32 $0xC100, s25;
	[tilespmem:s4+$0x0] =	vst v2  }
0x2dc: {  	s2 =	sor.u32 s24, s6;
	s7 =	sor.u32 s21, s22;
	s4 =	sor.u32 s18, s5;
	[tilespmem:s17+$0x0] =	vst v2  }
0x2dd: {  	s5 =	sor.u32 s18, s6;
	s17 =	sor.u32 s20, s6;
	s6 =	sld [smem:$0x782];
	[tilespmem:s7+$0x0] =	vst v2  }
0x2de: {  	v0 =	vmax.f32 v0, $-1.000000000e+00;
	s13 =	rddreg [dreg:$0x11];
	[tilespmem:s8+$0x0] =	vst v2  }
0x2df: {  	v0 =	vmin.f32 v0, $1.000000000e+00;
	s30 =	sor.u32 s20, s22;
	s3 =	sor.u32 s24, s22;
	s22 =	sor.u32 s18, s22;
	[tilespmem:s15+$0x0] =	vst v1;
	v2 =	vmax.f32 v3, $-1.000000000e+00;
	v3 =	vld [tilespmem:s13+$0x0]  }
0x2e0: {  	[smem:$0x7CD] =	sst s22;
	[tilespmem:s6+$0x0] =	vst v0  }
0x2e1: {  	s22 =	sor.u32 $0xC300, s25;
	s12 =	sor.u32 s18, s0;
	[smem:$0x7CE] =	sst s5;
	v2 =	vmin.f32 v2, $1.000000000e+00;
	[tilespmem:s28+$0x0] =	vst v0  }
0x2e2: {  	s29 =	sor.u32 s20, s22;
	s5 =	rddreg [dreg:$0xd];
	s8 =	sor.u32 $0xC200, s25;
	[tilespmem:s14+$0x0] =	vst v2  }
0x2e3: {  	s7 =	sor.u32 s20, s0;
	s13 =	sor.u32 s21, s8;
	s28 =	sor.u32 $0xC380, s25;
	[tilespmem:s26+$0x0] =	vst v0  }
0x2e4: {  	s26 =	sor.u32 s21, s22;
	[tilespmem:s9+$0x0] =	vst v0;
	s9 =	sor.u32 $0xC280, s25;
	s25 =	sor.u32 s24, s22;
	v3 =	vmax.f32 v3, $-1.000000000e+00  }
0x2e5: {  	[tilespmem:s19+$0x0] =	vst v2;
	s15 =	sor.u32 s21, s9;
	s14 =	sor.u32 s24, s9;
	s19 =	sor.u32 s18, s9;
	v0 =	vmin.f32 v3, $1.000000000e+00  }
0x2e6: {  	v1 =	vld [tilespmem:s10+$0x1180];
	[tilespmem:s13+$0x0] =	vst v0;
	s13 =	sor.u32 s20, s9;
	s9 =	sor.u32 s18, s22;
	s22 =	rddreg [dreg:$0x1c]  }
0x2e7: {  	s31 =	sor.u32 s20, s28;
	[tilespmem:s15+$0x0] =	vst v0;
	s15 =	sor.u32 s20, s8;
	s20 =	rddreg [dreg:$0x1d]  }
0x2e8: {  	s0 =	sor.u32 s24, s8;
	s21 =	sor.u32 s21, s28;
	[tilespmem:s22+$0x0] =	vst v2;
	s22 =	rddreg [dreg:$0x17]  }
0x2e9: {  	s24 =	sor.u32 s24, s28;
	[tilespmem:s26+$0x0] =	vst v0;
	s26 =	sor.u32 s18, s28;
	s28 =	rddreg [dreg:$0x1f]  }
0x2ea: {  	s8 =	sor.u32 s18, s8;
	s18 =	rddreg [dreg:$0x1a]  }
0x2eb: {  	v1 =	vmax.f32 v1, $-1.000000000e+00;
	v3 =	vld [tilespmem:s11+$0x1180];
	[tilespmem:s21+$0x0] =	vst v0;
	s21 =	rddreg [dreg:$0x1b]  }
0x2ec: {  	v1 =	vmin.f32 v1, $1.000000000e+00;
	[tilespmem:s28+$0x0] =	vst v2;
	s28 =	rddreg [dreg:$0x10]  }
0x2ed: {  	[tilespmem:s18+$0x0] =	vst v1;
	s18 =	rddreg [dreg:$0x18]  }
0x2ee: {  	v2 =	vld [tilespmem:s5+$0x0];
	s5 =	rddreg [dreg:$0x1e]  }
0x2ef: {  	[tilespmem:s20+$0x0] =	vst v1;
	s20 =	sld [smem:$0x783]  }
0x2f0: {  	v0 =	vmax.f32 v3, $-1.000000000e+00;
	[tilespmem:s21+$0x0] =	vst v1;
	s21 =	rddreg [dreg:$0x19]  }
0x2f1: {  	v0 =	vmin.f32 v0, $1.000000000e+00;
	[tilespmem:s22+$0x0] =	vst v1;
	s22 =	sld [smem:$0x784]  }
0x2f2: {  	[tilespmem:s5+$0x0] =	vst v0;
	s5 =	sld [smem:$0x785]  }
0x2f3: {  	v1 =	vld [tilespmem:s28+$0x0];
	s28 =	rddreg [dreg:$0x12]  }
0x2f4: {  	[tilespmem:s18+$0x0] =	vst v0;
	s18 =	sld [smem:$0x786]  }
0x2f5: {  	[tilespmem:s20+$0x0] =	vst v0;
	s20 =	sld [smem:$0x787]  }
0x2f6: {  	v2 =	vmax.f32 v2, $-1.000000000e+00;
	[tilespmem:s21+$0x0] =	vst v0;
	s21 =	rddreg [dreg:$0xb]  }
0x2f7: {  	v2 =	vmin.f32 v2, $1.000000000e+00;
	v0 =	vld [tilespmem:s28+$0x0];
	s28 =	sld [smem:$0x789]  }
0x2f8: {  	[tilespmem:s22+$0x0] =	vst v2;
	s22 =	sld [smem:$0x788]  }
0x2f9: {  	[tilespmem:s5+$0x0] =	vst v2;
	s5 =	sld [smem:$0x78A]  }
0x2fa: {  	v1 =	vmax.f32 v1, $-1.000000000e+00;
	[tilespmem:s18+$0x0] =	vst v2;
	s18 =	sld [smem:$0x78B]  }
0x2fb: {  	v1 =	vmin.f32 v1, $1.000000000e+00;
	[tilespmem:s20+$0x0] =	vst v2;
	s20 =	rddreg [dreg:$0xe]  }
0x2fc: {  	[tilespmem:s22+$0x0] =	vst v1;
	s22 =	sld [smem:$0x78D]  }
0x2fd: {  	v2 =	vld [tilespmem:s21+$0x0];
	s21 =	sld [smem:$0x78C]  }
0x2fe: {  	[tilespmem:s28+$0x0] =	vst v1;
	s28 =	sld [smem:$0x78E]  }
0x2ff: {  	[tilespmem:s5+$0x0] =	vst v1;
	s5 =	sld [smem:$0x78F]  }
0x300: {  	v0 =	vmax.f32 v0, $-1.000000000e+00;
	[tilespmem:s18+$0x0] =	vst v1;
	s18 =	sld [smem:$0x790]  }
0x301: {  	v0 =	vmin.f32 v0, $1.000000000e+00;
	v1 =	vld [tilespmem:s20+$0x0];
	s20 =	rddreg [dreg:$0x7]  }
0x302: {  	[tilespmem:s21+$0x0] =	vst v0;
	s21 =	sld [smem:$0x791]  }
0x303: {  	[tilespmem:s22+$0x0] =	vst v0;
	s22 =	sld [smem:$0x792]  }
0x304: {  	v2 =	vmax.f32 v2, $-1.000000000e+00;
	[tilespmem:s28+$0x0] =	vst v0;
	s28 =	sld [smem:$0x793]  }
0x305: {  	v2 =	vmin.f32 v2, $1.000000000e+00;
	[tilespmem:s5+$0x0] =	vst v0;
	s5 =	rddreg [dreg:$0x9]  }
0x306: {  	[tilespmem:s18+$0x0] =	vst v2;
	s18 =	sld [smem:$0x794]  }
0x307: {  	v0 =	vld [tilespmem:s20+$0x0];
	s20 =	sld [smem:$0x795]  }
0x308: {  	[tilespmem:s21+$0x0] =	vst v2;
	s21 =	sld [smem:$0x796]  }
0x309: {  	v1 =	vmax.f32 v1, $-1.000000000e+00;
	[tilespmem:s22+$0x0] =	vst v2;
	s22 =	sld [smem:$0x797]  }
0x30a: {  	v1 =	vmin.f32 v1, $1.000000000e+00;
	[tilespmem:s28+$0x0] =	vst v2;
	s28 =	rddreg [dreg:$0xc]  }
0x30b: {  	[tilespmem:s18+$0x0] =	vst v1;
	s18 =	sld [smem:$0x799]  }
0x30c: {  	v2 =	vld [tilespmem:s5+$0x0];
	s5 =	sld [smem:$0x798]  }
0x30d: {  	[tilespmem:s20+$0x0] =	vst v1;
	s20 =	sld [smem:$0x79A]  }
0x30e: {  	[tilespmem:s21+$0x0] =	vst v1;
	s21 =	sld [smem:$0x79B]  }
0x30f: {  	v0 =	vmax.f32 v0, $-1.000000000e+00;
	[tilespmem:s22+$0x0] =	vst v1;
	s22 =	sld [smem:$0x79C]  }
0x310: {  	v0 =	vmin.f32 v0, $1.000000000e+00;
	v1 =	vld [tilespmem:s28+$0x0];
	s28 =	rddreg [dreg:$0xf]  }
0x311: {  	[tilespmem:s5+$0x0] =	vst v0;
	s5 =	sld [smem:$0x79D]  }
0x312: {  	[tilespmem:s18+$0x0] =	vst v0;
	s18 =	sld [smem:$0x79E]  }
0x313: {  	v2 =	vmax.f32 v2, $-1.000000000e+00;
	[tilespmem:s20+$0x0] =	vst v0;
	s20 =	sld [smem:$0x79F]  }
0x314: {  	v2 =	vmin.f32 v2, $1.000000000e+00;
	[tilespmem:s21+$0x0] =	vst v0;
	s21 =	rddreg [dreg:$0x8]  }
0x315: {  	[tilespmem:s22+$0x0] =	vst v2;
	s22 =	sld [smem:$0x7A0]  }
0x316: {  	v0 =	vld [tilespmem:s28+$0x0];
	s28 =	sld [smem:$0x7A1]  }
0x317: {  	[tilespmem:s5+$0x0] =	vst v2;
	s5 =	sld [smem:$0x7A2]  }
0x318: {  	v1 =	vmax.f32 v1, $-1.000000000e+00;
	[tilespmem:s18+$0x0] =	vst v2;
	s18 =	sld [smem:$0x7A3]  }
0x319: {  	v1 =	vmin.f32 v1, $1.000000000e+00;
	[tilespmem:s20+$0x0] =	vst v2;
	s20 =	rddreg [dreg:$0xa]  }
0x31a: {  	[tilespmem:s22+$0x0] =	vst v1;
	s22 =	sld [smem:$0x7A5]  }
0x31b: {  	v2 =	vld [tilespmem:s21+$0x0];
	[tilespmem:s28+$0x0] =	vst v1;
	s21 =	sld [smem:$0x7A4]  }
0x31c: {  	s28 =	sld [smem:$0x7A6];
	v0 =	vmax.f32 v0, $-1.000000000e+00;
	[tilespmem:s5+$0x0] =	vst v1  }
0x31d: {  	s5 =	sld [smem:$0x7A7];
	v0 =	vmin.f32 v0, $1.000000000e+00;
	[tilespmem:s18+$0x0] =	vst v1  }
0x31e: {  	s18 =	sld [smem:$0x7A8];
	[tilespmem:s21+$0x0] =	vst v0  }
0x31f: {  	v1 =	vld [tilespmem:s20+$0x0];
	s20 =	rddreg [dreg:$0x14];
	[tilespmem:s22+$0x0] =	vst v0  }
0x320: {  	s21 =	sld [smem:$0x7A9];
	v2 =	vmax.f32 v2, $-1.000000000e+00;
	[tilespmem:s28+$0x0] =	vst v0  }
0x321: {  	s22 =	sld [smem:$0x7AA];
	v2 =	vmin.f32 v2, $1.000000000e+00;
	[tilespmem:s5+$0x0] =	vst v0  }
0x322: {  	s28 =	sld [smem:$0x7AB];
	[tilespmem:s18+$0x0] =	vst v2  }
0x323: {  	s5 =	sld [smem:$0x7AC];
	v0 =	vld [tilespmem:s20+$0x0];
	[tilespmem:s21+$0x0] =	vst v2  }
0x324: {  	s18 =	sld [smem:$0x7AD];
	v1 =	vmax.f32 v1, $-1.000000000e+00;
	[tilespmem:s22+$0x0] =	vst v2  }
0x325: {  	s20 =	sld [smem:$0x7AE];
	v1 =	vmin.f32 v1, $1.000000000e+00;
	[tilespmem:s28+$0x0] =	vst v2  }
0x326: {  	s21 =	sld [smem:$0x7AF];
	[tilespmem:s5+$0x0] =	vst v1  }
0x327: {  	s22 =	sld [smem:$0x7B0];
	v2 =	vld [tilespmem:s16+$0x2000];
	[tilespmem:s18+$0x0] =	vst v1  }
0x328: {  	s28 =	sld [smem:$0x7B1];
	v0 =	vmax.f32 v0, $-1.000000000e+00;
	[tilespmem:s20+$0x0] =	vst v1  }
0x329: {  	s5 =	sld [smem:$0x7B2];
	v0 =	vmin.f32 v0, $1.000000000e+00;
	[tilespmem:s21+$0x0] =	vst v1  }
0x32a: {  	s18 =	sld [smem:$0x7B3];
	[tilespmem:s22+$0x0] =	vst v0  }
0x32b: {  	s20 =	sld [smem:$0x7B4];
	v1 =	vld [tilespmem:s10+$0x2000];
	[tilespmem:s28+$0x0] =	vst v0  }
0x32c: {  	s21 =	sld [smem:$0x7B5];
	v2 =	vmax.f32 v2, $-1.000000000e+00;
	[tilespmem:s5+$0x0] =	vst v0  }
0x32d: {  	s22 =	sld [smem:$0x7B6];
	v2 =	vmin.f32 v2, $1.000000000e+00;
	[tilespmem:s18+$0x0] =	vst v0  }
0x32e: {  	s28 =	sld [smem:$0x7B7];
	[tilespmem:s20+$0x0] =	vst v2  }
0x32f: {  	s5 =	sld [smem:$0x7B8];
	v0 =	vld [tilespmem:s11+$0x2000];
	[tilespmem:s21+$0x0] =	vst v2  }
0x330: {  	s18 =	sld [smem:$0x7B9];
	v1 =	vmax.f32 v1, $-1.000000000e+00;
	[tilespmem:s22+$0x0] =	vst v2  }
0x331: {  	s20 =	sld [smem:$0x7BA];
	v1 =	vmin.f32 v1, $1.000000000e+00;
	[tilespmem:s28+$0x0] =	vst v2  }
0x332: {  	s21 =	sld [smem:$0x7BB];
	[tilespmem:s5+$0x0] =	vst v1  }
0x333: {  	s22 =	sld [smem:$0x7BC];
	v2 =	vld [tilespmem:s16+$0x2080];
	[tilespmem:s18+$0x0] =	vst v1  }
0x334: {  	s28 =	sld [smem:$0x7BD];
	v0 =	vmax.f32 v0, $-1.000000000e+00;
	[tilespmem:s20+$0x0] =	vst v1  }
0x335: {  	s5 =	sld [smem:$0x7BE];
	v0 =	vmin.f32 v0, $1.000000000e+00;
	[tilespmem:s21+$0x0] =	vst v1  }
0x336: {  	s18 =	sld [smem:$0x7BF];
	[tilespmem:s22+$0x0] =	vst v0  }
0x337: {  	s20 =	sld [smem:$0x7C0];
	v1 =	vld [tilespmem:s10+$0x2080];
	[tilespmem:s28+$0x0] =	vst v0  }
0x338: {  	s21 =	sld [smem:$0x7C1];
	v2 =	vmax.f32 v2, $-1.000000000e+00;
	[tilespmem:s5+$0x0] =	vst v0  }
0x339: {  	s22 =	sld [smem:$0x7C2];
	v2 =	vmin.f32 v2, $1.000000000e+00;
	[tilespmem:s18+$0x0] =	vst v0  }
0x33a: {  	s28 =	sld [smem:$0x7C3];
	[tilespmem:s20+$0x0] =	vst v2  }
0x33b: {  	s5 =	sld [smem:$0x7C4];
	v0 =	vld [tilespmem:s11+$0x2080];
	[tilespmem:s21+$0x0] =	vst v2  }
0x33c: {  	s18 =	sld [smem:$0x7C5];
	v1 =	vmax.f32 v1, $-1.000000000e+00;
	[tilespmem:s22+$0x0] =	vst v2  }
0x33d: {  	s20 =	sld [smem:$0x7C6];
	v1 =	vmin.f32 v1, $1.000000000e+00;
	[tilespmem:s28+$0x0] =	vst v2  }
0x33e: {  	s21 =	sld [smem:$0x7C7];
	[tilespmem:s5+$0x0] =	vst v1  }
0x33f: {  	s22 =	sld [smem:$0x7C8];
	v2 =	vld [tilespmem:s16+$0x2100];
	[tilespmem:s18+$0x0] =	vst v1  }
0x340: {  	s28 =	sld [smem:$0x7C9];
	v0 =	vmax.f32 v0, $-1.000000000e+00;
	[tilespmem:s20+$0x0] =	vst v1  }
0x341: {  	s5 =	sld [smem:$0x7CA];
	v0 =	vmin.f32 v0, $1.000000000e+00;
	[tilespmem:s21+$0x0] =	vst v1  }
0x342: {  	s18 =	sld [smem:$0x7CB];
	[tilespmem:s22+$0x0] =	vst v0  }
0x343: {  	s20 =	sld [smem:$0x7CC];
	v1 =	vld [tilespmem:s10+$0x2100];
	[tilespmem:s28+$0x0] =	vst v0  }
0x344: {  	v2 =	vmax.f32 v2, $-1.000000000e+00;
	[tilespmem:s5+$0x0] =	vst v0  }
0x345: {  	v2 =	vmin.f32 v2, $1.000000000e+00;
	[tilespmem:s18+$0x0] =	vst v0  }
0x346: {  	[tilespmem:s20+$0x0] =	vst v2  }
0x347: {  	v0 =	vld [tilespmem:s11+$0x2100];
	[tilespmem:s23+$0x0] =	vst v2  }
0x348: {  	v1 =	vmax.f32 v1, $-1.000000000e+00;
	[tilespmem:s3+$0x0] =	vst v2  }
0x349: {  	v1 =	vmin.f32 v1, $1.000000000e+00;
	[tilespmem:s2+$0x0] =	vst v2  }
0x34a: {  	[tilespmem:s7+$0x0] =	vst v1  }
0x34b: {  	v2 =	vld [tilespmem:s16+$0x2180];
	[tilespmem:s1+$0x0] =	vst v1  }
0x34c: {  	v0 =	vmax.f32 v0, $-1.000000000e+00;
	[tilespmem:s30+$0x0] =	vst v1  }
0x34d: {  	s22 =	sld [smem:$0x7CD];
	v0 =	vmin.f32 v0, $1.000000000e+00;
	[tilespmem:s17+$0x0] =	vst v1  }
0x34e: {  	s28 =	sld [smem:$0x7CE];
	v3 =	vld [tilespmem:s10+$0x2180];
	[tilespmem:s12+$0x0] =	vst v0  }
0x34f: {  	[tilespmem:s4+$0x0] =	vst v0  }
.Ltmp0:
0x350: {  	v1 =	vmax.f32 v2, $-1.000000000e+00;
	[tilespmem:s22+$0x0] =	vst v0;
	(pc) =	sbr.rel @p1 .LBB2_2-.Ltmp0, $4  }
0x351: {  	s21 =	rddreg [dreg:$0x5];
	v1 =	vmin.f32 v1, $1.000000000e+00;
	[tilespmem:s28+$0x0] =	vst v0  }
0x352: {  	s23 =	rddreg [dreg:$0x3];
	[tilespmem:s0+$0x0] =	vst v1  }
0x353: {  	s30 =	rddreg [dreg:$0x4];
	[tilespmem:s14+$0x0] =	vst v1;
	v0 =	vmax.f32 v3, $-1.000000000e+00  }
0x354: {  	s1 =	sadd.s32 $0x40, s21;
	s4 =	rddreg [dreg:$0x6];
	v2 =	vld [tilespmem:s11+$0x2180];
	s0 =	sadd.s32 $0x200, s30;
	[tilespmem:s25+$0x0] =	vst v1;
	v0 =	vmin.f32 v0, $1.000000000e+00  }
0x355: {  	_ = 	snop  }
0x356: {  	[tilespmem:s24+$0x0] =	vst v1  }
0x357: {  	[tilespmem:s15+$0x0] =	vst v0  }
0x358: {  	[tilespmem:s13+$0x0] =	vst v0  }
0x359: {  	[tilespmem:s29+$0x0] =	vst v0;
	v63 =	vmax.f32 v2, $-1.000000000e+00  }
0x35a: {  	[tilespmem:s31+$0x0] =	vst v0;
	v1 =	vmin.f32 v63, $1.000000000e+00  }
0x35b: {  	[tilespmem:s8+$0x0] =	vst v1  }
0x35c: {  	[tilespmem:s19+$0x0] =	vst v1  }
0x35d: {  	[tilespmem:s9+$0x0] =	vst v1  }
0x35e: {  	[tilespmem:s26+$0x0] =	vst v1  }
0x35f: {  	s0 =	sld [smem:$0x7FC]  }
0x360: {  	s1 =	simm.s32 $0x1000  }
0x361: {  	s2 =	simm.s32 $0x20000;
	s3 =	simm.s32 $0x3000;
	s4 =	simm.s32 $0x1  }
0x362: {  	[hbm4b:s0+s1] =	stream.strided.scatter [tilespmem:s3], [sflag:$0x1], $0xA000, s2, s1, $0x38;
	[tilespmem:$0xD000] =	vst v63  }
0x363: {  	_ =	swait.ge [sflag:s4], $0xA000  }
0x364: {  	s30 =	sld [smem:$0x7CF]  }
0x365: {  	s31 =	sld [smem:$0x7FD];
	_ =	sdelay $0x1  }
0x366: {  	s3 =	sadd.s32 $0x1, s30  }
0x367: {  	p0 =	sne.s32 s3, s31  }
.Ltmp1:
0x368: {  	_ = 	snop;
	(pc) =	sbr.rel @p0 .LBB2_1-.Ltmp1, $3  }
0x369: {  	_ =	sdelay $0x1  }
0x36a: {  	[sflag:s4] =	ssyncset.done $0x0  }
0x36b: {  	[sflag:s4] =	ssyncadd.s32 $0xFFFF6000  }
0x36c: {  	_ =	sfence.sel $0x180000  }
0x36d: {  	[bflag:$0x0] =	sbarrier.arrive $0xFFFF  }
0x36e: {  	_ =	strace $0x90000047  }
0x36f: {  	s0 =	stileid.u32;
	[bflag:$0x2] =	sbarrier.arrive $0xFFFF  }
0x370: {  	p0 =	sne.s32 s0, $0x0;
	s0 =	rddreg [dreg:$0x2]  }
0x371: {  	s0 =	sadd.s32 @!p0 $0x100000, s0  }
0x372: {  	[sflag:s0] =	ssyncadd.tile.s32 @!p0 $0x1;
	_ =	shalt  }
.Lfunc_end2:
_tile_overlayer_lowered:
.L_overlay_start_2:
0x373: {  	(tag) =	ssettag $0x2  }
0x374: {  	s0 =	rddreg [dreg:$0x0];
	s2 =	stileid.u32  }
0x375: {  	s1 =	rddreg [dreg:$0x1];
	p0 =	sne.s32 s2, $0x0  }
0x376: {  	s3 =	rddreg [dreg:$0x2];
	[bflag:$0x3] =	sbarrier.arrive $0xFFFF;
	s2 =	simm.s32 @!p0 $0x1C01  }
0x377: {  	[timem:s3], [sflag:s2] =	dma.local @!p0 [hbm:s0], s1  }
0x378: {  	s0 =	simm.s32 @!p0 $0x1  }
0x379: {  	_ =	swait.ge @!p0 [sflag:s0], s1  }
0x37a: {  	s1 =	ssub.s32 @!p0 $0x0, s1;
	[sflag:s0] =	ssyncset.done @!p0 $0x0  }
0x37b: {  	[sflag:s0] =	ssyncadd.s32 @!p0 s1  }
0x37c: {  	[bflag:$0x3] =	sbarrier.arrive $0xFFFF  }
0x37d: {  	_ =	shalt  }

</sc_bundles>
